<compile_context>
chip_gen: v7x
topology: tpu7x:2x2x1
jax: 0.10.2.dev20260603
libtpu: 0.0.44.dev20260713+nightly
codegen_flags: <defaults>
</compile_context>

<pallas_src>
import functools

import jax
import jax.numpy as jnp
from jax import lax
from jax.experimental import pallas as pl
from jax.experimental.pallas import tpu as pltpu
from jax.experimental.pallas import tpu_sc as plsc

N = 10000
E = 320000
D = 128
EPS = 1e-5

NC = 2
NS = 16
K = 80
E_PER_CORE = E // NC
E_PER_SUB = E_PER_CORE // NS
N_CHUNKS = E_PER_SUB // K
NPAD = 10240
ROWS_PER_SUB = NPAD // NS

@functools.cache
def _build_deg_kernel():
    mesh = plsc.VectorSubcoreMesh(core_axis_name="c", subcore_axis_name="s")

    @functools.partial(
        pl.kernel,
        out_type=jax.ShapeDtypeStruct((NC, NPAD, D), jnp.float32),
        mesh=mesh,
        scratch_types=[
            pltpu.VMEM((N_CHUNKS, K), jnp.int32),
            pltpu.VMEM((K, D), jnp.float32),
            pltpu.SemaphoreType.DMA,
            pltpu.VMEM_SHARED((NPAD, D), jnp.float32),
        ],
    )
    def deg_kernel(dst_hbm, ones_hbm, zeros_hbm, out_hbm,
                   didx, ones_v, sem, acc):
        c = lax.axis_index("c")
        s = lax.axis_index("s")
        wid = c * NS + s
        pltpu.sync_copy(ones_hbm, ones_v)
        pltpu.sync_copy(zeros_hbm,
                        acc.at[pl.ds(s * ROWS_PER_SUB, ROWS_PER_SUB)])
        pltpu.sync_copy(dst_hbm.at[wid], didx)
        plsc.subcore_barrier()

        W = 8

        @pl.loop(0, N_CHUNKS)
        def _(i):
            pltpu.async_copy(ones_v, acc.at[didx.at[i]], sem, add=True)

            @pl.when(i >= W)
            def _():
                pltpu.make_async_copy(ones_v, acc.at[didx.at[i - W]],
                                      sem).wait()

        @pl.loop(N_CHUNKS - W, N_CHUNKS)
        def _(i):
            pltpu.make_async_copy(ones_v, acc.at[didx.at[i]], sem).wait()

        plsc.subcore_barrier()
        pltpu.sync_copy(
            acc.at[pl.ds(s * ROWS_PER_SUB, ROWS_PER_SUB)],
            out_hbm.at[c, pl.ds(s * ROWS_PER_SUB, ROWS_PER_SUB)],
        )

    return deg_kernel


@functools.cache
def _build_agg_kernel():
    mesh = plsc.VectorSubcoreMesh(core_axis_name="c", subcore_axis_name="s")

    @functools.partial(
        pl.kernel,
        out_type=jax.ShapeDtypeStruct((NC, NPAD, D), jnp.float32),
        mesh=mesh,
        scratch_types=[
            pltpu.VMEM((N_CHUNKS * K,), jnp.int32),
            pltpu.VMEM((N_CHUNKS, K), jnp.int32),
            pltpu.VMEM((K, D), jnp.float32),
            pltpu.VMEM((K, D), jnp.float32),
            pltpu.SemaphoreType.DMA,
            pltpu.SemaphoreType.DMA,
            pltpu.VMEM_SHARED((NPAD, D), jnp.float32),
        ],
    )
    def agg_kernel(h2_hbm, src_hbm, dst_hbm, zeros_hbm, out_hbm,
                   sidx, didx, rows0, rows1, sem0, sem1, acc):
        c = lax.axis_index("c")
        s = lax.axis_index("s")
        wid = c * NS + s
        pltpu.sync_copy(zeros_hbm,
                        acc.at[pl.ds(s * ROWS_PER_SUB, ROWS_PER_SUB)])
        pltpu.sync_copy(src_hbm.at[pl.ds(wid * N_CHUNKS * K, N_CHUNKS * K)],
                        sidx)
        pltpu.sync_copy(dst_hbm.at[wid], didx)
        plsc.subcore_barrier()

        def gather_start(i, rows, sem):
            pltpu.async_copy(h2_hbm.at[sidx.at[pl.ds(i * K, K)]], rows, sem)

        def gather_wait(i, rows, sem):
            pltpu.make_async_copy(h2_hbm.at[sidx.at[pl.ds(i * K, K)]],
                                  rows, sem).wait()

        def scatter(i, rows):
            pltpu.sync_copy(rows, acc.at[didx.at[i]], add=True)

        gather_start(0, rows0, sem0)

        @pl.loop(0, N_CHUNKS - 1, step=2)
        def _(i):
            gather_start(i + 1, rows1, sem1)
            gather_wait(i, rows0, sem0)
            scatter(i, rows0)
            gather_start(i + 2, rows0, sem0)
            gather_wait(i + 1, rows1, sem1)
            scatter(i + 1, rows1)

        gather_wait(N_CHUNKS - 1, rows0, sem0)
        scatter(N_CHUNKS - 1, rows0)

        plsc.subcore_barrier()
        pltpu.sync_copy(
            acc.at[pl.ds(s * ROWS_PER_SUB, ROWS_PER_SUB)],
            out_hbm.at[c, pl.ds(s * ROWS_PER_SUB, ROWS_PER_SUB)],
        )

    return agg_kernel


def _deg_kernel(dst3, ones_k, zerosD):
    return _build_deg_kernel()(dst3, ones_k, zerosD)[:, :N]


def _agg_kernel(h2, src, dst3, zerosD):
    return _build_agg_kernel()(h2, src, dst3, zerosD)[:, :N]


BN = 1000


def _mm_prep_body(p0_ref, p1_ref, x_ref, w_ref, oh_ref, od_ref):
    deg = p0_ref[:, :1] + p1_ref[:, :1] + 1.0
    dv = jnp.broadcast_to(lax.rsqrt(deg), (BN, D))
    od_ref[...] = dv
    oh_ref[...] = jnp.dot(x_ref[...], w_ref[...],
                          preferred_element_type=jnp.float32) * dv


def _mm_prep(degp, x, w):
    blk = pl.BlockSpec((BN, D), lambda i: (i, 0))
    return pl.pallas_call(
        _mm_prep_body,
        grid=(N // BN,),
        in_specs=[blk, blk, blk, pl.BlockSpec((D, D), lambda i: (0, 0))],
        out_specs=[blk, blk],
        out_shape=[jax.ShapeDtypeStruct((N, D), jnp.float32),
                   jax.ShapeDtypeStruct((N, D), jnp.float32)],
    )(degp[0], degp[1], x, w)


def _epi_core(a0, a1, h2, dv, b, xraw):
    pre = dv * (a0 + a1 + h2) + b
    r = jnp.maximum(pre, 0.0)
    mu = jnp.mean(r, axis=-1, keepdims=True)
    var = jnp.mean((r - mu) ** 2, axis=-1, keepdims=True)
    ln = (r - mu) * lax.rsqrt(var + EPS)
    return ln + xraw


def _epi_mm_body(a0_ref, a1_ref, h2_ref, dv_ref, b_ref, xr_ref, w_ref,
                 ox_ref, oh_ref):
    xn = _epi_core(a0_ref[...], a1_ref[...], h2_ref[...], dv_ref[...],
                   b_ref[...], xr_ref[...])
    ox_ref[...] = xn
    oh_ref[...] = jnp.dot(xn, w_ref[...],
                          preferred_element_type=jnp.float32) * dv_ref[...]


def _epi_mm(acc, h2, dinv2d, b, xraw, w_next):
    blk = pl.BlockSpec((BN, D), lambda i: (i, 0))
    return pl.pallas_call(
        _epi_mm_body,
        grid=(N // BN,),
        in_specs=[blk, blk, blk, blk,
                  pl.BlockSpec((1, D), lambda i: (0, 0)), blk,
                  pl.BlockSpec((D, D), lambda i: (0, 0))],
        out_specs=[blk, blk],
        out_shape=[jax.ShapeDtypeStruct((N, D), jnp.float32),
                   jax.ShapeDtypeStruct((N, D), jnp.float32)],
    )(acc[0], acc[1], h2, dinv2d, b.reshape(1, D), xraw, w_next)


def _epi_body(a0_ref, a1_ref, h2_ref, dv_ref, b_ref, xr_ref, ox_ref):
    ox_ref[...] = _epi_core(a0_ref[...], a1_ref[...], h2_ref[...],
                            dv_ref[...], b_ref[...], xr_ref[...])


def _epi(acc, h2, dinv2d, b, xraw):
    blk = pl.BlockSpec((BN, D), lambda i: (i, 0))
    return pl.pallas_call(
        _epi_body,
        grid=(N // BN,),
        in_specs=[blk, blk, blk, blk,
                  pl.BlockSpec((1, D), lambda i: (0, 0)), blk],
        out_specs=blk,
        out_shape=jax.ShapeDtypeStruct((N, D), jnp.float32),
    )(acc[0], acc[1], h2, dinv2d, b.reshape(1, D), xraw)


def kernel(x, edge, W0, b0, W1, b1, W2, b2):
    edge = edge.astype(jnp.int32)
    src = edge[0]
    dst = edge[1]
    dst3 = dst.reshape(NC * NS, N_CHUNKS, K)
    ones_k = jnp.ones((K, D), jnp.float32)
    zerosD = jnp.zeros((ROWS_PER_SUB, D), jnp.float32)

    degp = _deg_kernel(dst3, ones_k, zerosD)
    h2, dinv2d = _mm_prep(degp, x, W0)
    acc = _agg_kernel(h2, src, dst3, zerosD)
    x1, h2 = _epi_mm(acc, h2, dinv2d, b0, x, W1)

    acc = _agg_kernel(h2, src, dst3, zerosD)
    x2, h2 = _epi_mm(acc, h2, dinv2d, b1, x1, W2)

    acc = _agg_kernel(h2, src, dst3, zerosD)
    return _epi(acc, h2, dinv2d, b2, x2)

# --- scband reference (transcript-rebuilt; emitter-appended) ---
"""Pipeline reference for scband-flex-gcn-35416300323469 (READ-ONLY COPY).

The authoritative reference and input builder live on the scoring server;
editing this copy changes nothing except your own understanding.
"""

import jax, jax.numpy as jnp
import numpy as np

N = 10000
E = 320000
D = 128
L = 3
EPS = 1e-5

def setup_inputs(seed: int = 0) -> dict:
    key = jax.random.key(seed)
    ks = jax.random.split(key, 2 + 2 * L)
    inp = {}
    inp['x'] = jax.random.normal(ks[0], (N, D), dtype=jnp.float32)
    inp['edge'] = jax.random.randint(ks[1], (2, E), 0, N, dtype=jnp.int64)
    scale = 1.0 / np.sqrt(D)
    for i in range(L):
        inp[f'W{i}'] = jax.random.normal(ks[2 + 2 * i], (D, D), dtype=jnp.float32) * scale
        inp[f'b{i}'] = jnp.zeros((D,), dtype=jnp.float32)
    return inp

def _layer_norm(x):
    mu = jnp.mean(x, axis=-1, keepdims=True)
    var = jnp.mean((x - mu) ** 2, axis=-1, keepdims=True)
    return (x - mu) / jnp.sqrt(var + EPS)

def _gcn_conv(x, src, dst, dinv, W, b):
    # GCNConv: x' = D^{-1/2} (A + I) D^{-1/2} (x W) + b
    h = x @ W
    norm = dinv[src] * dinv[dst]
    msg = h[src] * norm[:, None]
    out = jax.ops.segment_sum(msg, dst, num_segments=N)
    return out + b

def _forward(x, edge, Ws, bs):
    loop = jnp.arange(N, dtype=edge.dtype)
    src = jnp.concatenate([edge[0], loop])
    dst = jnp.concatenate([edge[1], loop])
    deg = jnp.zeros((N,), dtype=x.dtype).at[dst].add(1.0)
    dinv = jnp.where(deg > 0, 1.0 / jnp.sqrt(deg), 0.0)
    for W, b in zip(Ws, bs):
        x_raw = x
        h = _gcn_conv(x, src, dst, dinv, W, b)
        h = jax.nn.relu(h)
        h = _layer_norm(h)
        # F.dropout in eval / deterministic mode is identity
        x = h + x_raw
    return x

def reference(x, edge, W0, b0, W1, b1, W2, b2):
    return _forward(x, edge, [W0, W1, W2], [b0, b1, b2])

if __name__ == "__main__":
    import jax
    _d = setup_inputs()
    print(jax.jit(kernel)(*tuple(_d.values())))

</pallas_src>

<mosaic_0001>
#map = affine_map<(d0, d1) -> (0, 0)>
#map1 = affine_map<(d0, d1) -> (0)>
#map2 = affine_map<(d0, d1) -> (0, 0, 0)>
module attributes {stable_mosaic.version = 14 : i64} {
  func.func @agg_kernel(%arg0: i32, %arg1: i32, %arg2: memref<10000x128xf32, #tpu.memory_space<hbm>>, %arg3: memref<320000xi32, #tpu.memory_space<hbm>>, %arg4: memref<32x125x80xi32, #tpu.memory_space<hbm>>, %arg5: memref<640x128xf32, #tpu.memory_space<hbm>>, %arg6: memref<2x10240x128xf32, #tpu.memory_space<hbm>>, %arg7: memref<10000xi32, #tpu.memory_space<vmem>>, %arg8: memref<125x80xi32, #tpu.memory_space<vmem>>, %arg9: memref<80x128xf32, #tpu.memory_space<vmem>>, %arg10: memref<80x128xf32, #tpu.memory_space<vmem>>, %arg11: memref<!tpu.dma_semaphore, #tpu.memory_space<semaphore_mem>>, %arg12: memref<!tpu.dma_semaphore, #tpu.memory_space<semaphore_mem>>, %arg13: memref<10240x128xf32, #tpu.memory_space<vmem_shared>>) attributes {dimension_semantics = [#tpu.dimension_semantics<core_parallel>, #tpu.dimension_semantics<subcore_parallel>], iteration_bounds = array<i64: 2, 16>, scalar_prefetch = 0 : i64, scratch_operands = 7 : i64, tpu.core_type = #tpu.core_type<sc_vector_subcore>, window_params = [{transform_indices = #map}, {transform_indices = #map1}, {transform_indices = #map2}, {transform_indices = #map}, {transform_indices = #map2}]} {
    %mul3A = arith.constant 16 : i32
    %mul3A_0 = arith.muli %arg0, %mul3A : i32
    %add3A = arith.addi %mul3A_0, %arg1 : i32
    %mul3A_1 = arith.constant 640 : i32
    %mul3A_2 = arith.muli %arg1, %mul3A_1 : i32
    "tpu.region"() ({
      %run_scoped3A_24 = tpu.sem_alloc : memref<!tpu.dma_semaphore, #tpu.memory_space<semaphore_mem>>
      %dma_start3A_25 = arith.constant 0 : i32
      %dma_start3A_26 = tpu.memref_slice %arg13[%mul3A_2, %dma_start3A_25] : memref<10240x128xf32, #tpu.memory_space<vmem_shared>> -> memref<640x128xf32, #tpu.memory_space<vmem_shared>>
      tpu.enqueue_dma source(%arg5 : memref<640x128xf32, #tpu.memory_space<hbm>>) target(%dma_start3A_26 : memref<640x128xf32, #tpu.memory_space<vmem_shared>>) target_semaphore(%run_scoped3A_24 : memref<!tpu.dma_semaphore, #tpu.memory_space<semaphore_mem>>)
      %dma_wait3A_27 = arith.constant 0 : i32
      %dma_wait3A_28 = tpu.memref_slice %arg13[%mul3A_2, %dma_wait3A_27] : memref<10240x128xf32, #tpu.memory_space<vmem_shared>> -> memref<640x128xf32, #tpu.memory_space<vmem_shared>>
      tpu.wait_dma2 semaphore(%run_scoped3A_24 : memref<!tpu.dma_semaphore, #tpu.memory_space<semaphore_mem>>) src(%arg5 : memref<640x128xf32, #tpu.memory_space<hbm>>) dst(%dma_wait3A_28 : memref<640x128xf32, #tpu.memory_space<vmem_shared>>)
      tpu.yield
    }) : () -> ()
    %mul3A_3 = arith.constant 125 : i32
    %mul3A_4 = arith.muli %add3A, %mul3A_3 : i32
    %mul3A_5 = arith.constant 80 : i32
    %mul3A_6 = arith.muli %mul3A_4, %mul3A_5 : i32
    "tpu.region"() ({
      %run_scoped3A_24 = tpu.sem_alloc : memref<!tpu.dma_semaphore, #tpu.memory_space<semaphore_mem>>
      %dma_start3A_25 = tpu.memref_slice %arg3[%mul3A_6] : memref<320000xi32, #tpu.memory_space<hbm>> -> memref<10000xi32, #tpu.memory_space<hbm>>
      %dma_start3A_26 = tpu.memref_slice %arg3[%mul3A_6] : memref<320000xi32, #tpu.memory_space<hbm>> -> memref<10000xi32, #tpu.memory_space<hbm>>
      tpu.enqueue_dma source(%dma_start3A_26 : memref<10000xi32, #tpu.memory_space<hbm>>) target(%arg7 : memref<10000xi32, #tpu.memory_space<vmem>>) target_semaphore(%run_scoped3A_24 : memref<!tpu.dma_semaphore, #tpu.memory_space<semaphore_mem>>)
      %dma_wait3A_27 = tpu.memref_slice %arg3[%mul3A_6] : memref<320000xi32, #tpu.memory_space<hbm>> -> memref<10000xi32, #tpu.memory_space<hbm>>
      %dma_wait3A_28 = tpu.memref_slice %arg3[%mul3A_6] : memref<320000xi32, #tpu.memory_space<hbm>> -> memref<10000xi32, #tpu.memory_space<hbm>>
      tpu.wait_dma2 semaphore(%run_scoped3A_24 : memref<!tpu.dma_semaphore, #tpu.memory_space<semaphore_mem>>) src(%dma_wait3A_28 : memref<10000xi32, #tpu.memory_space<hbm>>) dst(%arg7 : memref<10000xi32, #tpu.memory_space<vmem>>)
      tpu.yield
    }) : () -> ()
    "tpu.region"() ({
      %run_scoped3A_24 = tpu.sem_alloc : memref<!tpu.dma_semaphore, #tpu.memory_space<semaphore_mem>>
      %dma_start3A_25 = arith.constant 0 : i32
      %dma_start3A_26 = arith.constant 0 : i32
      %dma_start3A_27 = tpu.memref_slice %arg4[%add3A, %dma_start3A_25, %dma_start3A_26] : memref<32x125x80xi32, #tpu.memory_space<hbm>> -> memref<1x125x80xi32, #tpu.memory_space<hbm>>
      %dma_start3A_28 = tpu.memref_squeeze %dma_start3A_27 : memref<1x125x80xi32, #tpu.memory_space<hbm>> -> memref<125x80xi32, #tpu.memory_space<hbm>>
      %dma_start3A_29 = arith.constant 0 : i32
      %dma_start3A_30 = arith.constant 0 : i32
      %dma_start3A_31 = tpu.memref_slice %arg4[%add3A, %dma_start3A_29, %dma_start3A_30] : memref<32x125x80xi32, #tpu.memory_space<hbm>> -> memref<1x125x80xi32, #tpu.memory_space<hbm>>
      %dma_start3A_32 = tpu.memref_squeeze %dma_start3A_31 : memref<1x125x80xi32, #tpu.memory_space<hbm>> -> memref<125x80xi32, #tpu.memory_space<hbm>>
      tpu.enqueue_dma source(%dma_start3A_32 : memref<125x80xi32, #tpu.memory_space<hbm>>) target(%arg8 : memref<125x80xi32, #tpu.memory_space<vmem>>) target_semaphore(%run_scoped3A_24 : memref<!tpu.dma_semaphore, #tpu.memory_space<semaphore_mem>>)
      %dma_wait3A_33 = arith.constant 0 : i32
      %dma_wait3A_34 = arith.constant 0 : i32
      %dma_wait3A_35 = tpu.memref_slice %arg4[%add3A, %dma_wait3A_33, %dma_wait3A_34] : memref<32x125x80xi32, #tpu.memory_space<hbm>> -> memref<1x125x80xi32, #tpu.memory_space<hbm>>
      %dma_wait3A_36 = tpu.memref_squeeze %dma_wait3A_35 : memref<1x125x80xi32, #tpu.memory_space<hbm>> -> memref<125x80xi32, #tpu.memory_space<hbm>>
      %dma_wait3A_37 = arith.constant 0 : i32
      %dma_wait3A_38 = arith.constant 0 : i32
      %dma_wait3A_39 = tpu.memref_slice %arg4[%add3A, %dma_wait3A_37, %dma_wait3A_38] : memref<32x125x80xi32, #tpu.memory_space<hbm>> -> memref<1x125x80xi32, #tpu.memory_space<hbm>>
      %dma_wait3A_40 = tpu.memref_squeeze %dma_wait3A_39 : memref<1x125x80xi32, #tpu.memory_space<hbm>> -> memref<125x80xi32, #tpu.memory_space<hbm>>
      tpu.wait_dma2 semaphore(%run_scoped3A_24 : memref<!tpu.dma_semaphore, #tpu.memory_space<semaphore_mem>>) src(%dma_wait3A_40 : memref<125x80xi32, #tpu.memory_space<hbm>>) dst(%arg8 : memref<125x80xi32, #tpu.memory_space<vmem>>)
      tpu.yield
    }) : () -> ()
    %barrier3A = arith.constant 0 : index
    tpu.barrier barrier_id(%barrier3A)
    %dma_start3A = arith.constant 0 : i32
    %dma_start3A_7 = tpu.memref_slice %arg7[%dma_start3A] : memref<10000xi32, #tpu.memory_space<vmem>> -> memref<80xi32, #tpu.memory_space<vmem>>
    %dma_start3A_8 = arith.constant 0 : i32
    %dma_start3A_9 = arith.constant 0 : i32
    %dma_start3A_10 = tpu.memref_slice %arg2[%dma_start3A_8, %dma_start3A_9] : memref<10000x128xf32, #tpu.memory_space<hbm>> -> memref<10000x128xf32, #tpu.memory_space<hbm>>
    tpu.enqueue_indirect_dma source(%dma_start3A_10 : memref<10000x128xf32, #tpu.memory_space<hbm>>) target(%arg9 : memref<80x128xf32, #tpu.memory_space<vmem>>) offsets(%dma_start3A_7 : memref<80xi32, #tpu.memory_space<vmem>>) semaphore(%arg11 : memref<!tpu.dma_semaphore, #tpu.memory_space<semaphore_mem>>)
    %scan3A = arith.constant 0 : i32
    %scan3A_11 = arith.constant 62 : i32
    %scan3A_12 = arith.addi %scan3A, %scan3A_11 : i32
    %scan3A_13 = arith.constant 1 : i32
    scf.for %scan3A_24 = %scan3A to %scan3A_12 step %scan3A_13  : i32 {
      %mul3A_25 = arith.constant 2 : i32
      %mul3A_26 = arith.muli %scan3A_24, %mul3A_25 : i32
      %add3A_27 = arith.constant 0 : i32
      %add3A_28 = arith.addi %add3A_27, %mul3A_26 : i32
      %add3A_29 = arith.constant 1 : i32
      %add3A_30 = arith.addi %add3A_28, %add3A_29 : i32
      %mul3A_31 = arith.constant 80 : i32
      %mul3A_32 = arith.muli %add3A_30, %mul3A_31 : i32
      %dma_start3A_33 = tpu.memref_slice %arg7[%mul3A_32] : memref<10000xi32, #tpu.memory_space<vmem>> -> memref<80xi32, #tpu.memory_space<vmem>>
      %dma_start3A_34 = arith.constant 0 : i32
      %dma_start3A_35 = arith.constant 0 : i32
      %dma_start3A_36 = tpu.memref_slice %arg2[%dma_start3A_34, %dma_start3A_35] : memref<10000x128xf32, #tpu.memory_space<hbm>> -> memref<10000x128xf32, #tpu.memory_space<hbm>>
      tpu.enqueue_indirect_dma source(%dma_start3A_36 : memref<10000x128xf32, #tpu.memory_space<hbm>>) target(%arg10 : memref<80x128xf32, #tpu.memory_space<vmem>>) offsets(%dma_start3A_33 : memref<80xi32, #tpu.memory_space<vmem>>) semaphore(%arg12 : memref<!tpu.dma_semaphore, #tpu.memory_space<semaphore_mem>>)
      %mul3A_37 = arith.constant 80 : i32
      %mul3A_38 = arith.muli %add3A_28, %mul3A_37 : i32
      %dma_wait3A_39 = tpu.memref_slice %arg7[%mul3A_38] : memref<10000xi32, #tpu.memory_space<vmem>> -> memref<80xi32, #tpu.memory_space<vmem>>
      %dma_wait3A_40 = arith.constant 0 : i32
      %dma_wait3A_41 = arith.constant 0 : i32
      %dma_wait3A_42 = tpu.memref_slice %arg2[%dma_wait3A_40, %dma_wait3A_41] : memref<10000x128xf32, #tpu.memory_space<hbm>> -> memref<10000x128xf32, #tpu.memory_space<hbm>>
      tpu.wait_indirect_dma semaphore(%arg11 : memref<!tpu.dma_semaphore, #tpu.memory_space<semaphore_mem>>) src(%dma_wait3A_42 : memref<10000x128xf32, #tpu.memory_space<hbm>>) dst(%arg9 : memref<80x128xf32, #tpu.memory_space<vmem>>)
      "tpu.region"() ({
        %run_scoped3A_61 = tpu.sem_alloc : memref<!tpu.dma_semaphore, #tpu.memory_space<semaphore_mem>>
        %dma_start3A_62 = arith.constant 0 : i32
        %dma_start3A_63 = tpu.memref_slice %arg8[%add3A_28, %dma_start3A_62] : memref<125x80xi32, #tpu.memory_space<vmem>> -> memref<1x80xi32, #tpu.memory_space<vmem>>
        %dma_start3A_64 = tpu.memref_squeeze %dma_start3A_63 : memref<1x80xi32, #tpu.memory_space<vmem>> -> memref<80xi32, #tpu.memory_space<vmem>>
        %dma_start3A_65 = arith.constant 0 : i32
        %dma_start3A_66 = arith.constant 0 : i32
        %dma_start3A_67 = tpu.memref_slice %arg13[%dma_start3A_65, %dma_start3A_66] : memref<10240x128xf32, #tpu.memory_space<vmem_shared>> -> memref<10240x128xf32, #tpu.memory_space<vmem_shared>>
        tpu.enqueue_indirect_dma source(%arg9 : memref<80x128xf32, #tpu.memory_space<vmem>>) target(%dma_start3A_67 : memref<10240x128xf32, #tpu.memory_space<vmem_shared>>) offsets(%dma_start3A_64 : memref<80xi32, #tpu.memory_space<vmem>>) semaphore(%run_scoped3A_61 : memref<!tpu.dma_semaphore, #tpu.memory_space<semaphore_mem>>) {add = true}
        %dma_wait3A_68 = arith.constant 0 : i32
        %dma_wait3A_69 = tpu.memref_slice %arg8[%add3A_28, %dma_wait3A_68] : memref<125x80xi32, #tpu.memory_space<vmem>> -> memref<1x80xi32, #tpu.memory_space<vmem>>
        %dma_wait3A_70 = tpu.memref_squeeze %dma_wait3A_69 : memref<1x80xi32, #tpu.memory_space<vmem>> -> memref<80xi32, #tpu.memory_space<vmem>>
        %dma_wait3A_71 = arith.constant 0 : i32
        %dma_wait3A_72 = arith.constant 0 : i32
        %dma_wait3A_73 = tpu.memref_slice %arg13[%dma_wait3A_71, %dma_wait3A_72] : memref<10240x128xf32, #tpu.memory_space<vmem_shared>> -> memref<10240x128xf32, #tpu.memory_space<vmem_shared>>
        tpu.wait_indirect_dma semaphore(%run_scoped3A_61 : memref<!tpu.dma_semaphore, #tpu.memory_space<semaphore_mem>>) src(%arg9 : memref<80x128xf32, #tpu.memory_space<vmem>>) dst(%dma_wait3A_73 : memref<10240x128xf32, #tpu.memory_space<vmem_shared>>)
        tpu.yield
      }) : () -> ()
      %add3A_43 = arith.constant 2 : i32
      %add3A_44 = arith.addi %add3A_28, %add3A_43 : i32
      %mul3A_45 = arith.constant 80 : i32
      %mul3A_46 = arith.muli %add3A_44, %mul3A_45 : i32
      %dma_start3A_47 = tpu.memref_slice %arg7[%mul3A_46] : memref<10000xi32, #tpu.memory_space<vmem>> -> memref<80xi32, #tpu.memory_space<vmem>>
      %dma_start3A_48 = arith.constant 0 : i32
      %dma_start3A_49 = arith.constant 0 : i32
      %dma_start3A_50 = tpu.memref_slice %arg2[%dma_start3A_48, %dma_start3A_49] : memref<10000x128xf32, #tpu.memory_space<hbm>> -> memref<10000x128xf32, #tpu.memory_space<hbm>>
      tpu.enqueue_indirect_dma source(%dma_start3A_50 : memref<10000x128xf32, #tpu.memory_space<hbm>>) target(%arg9 : memref<80x128xf32, #tpu.memory_space<vmem>>) offsets(%dma_start3A_47 : memref<80xi32, #tpu.memory_space<vmem>>) semaphore(%arg11 : memref<!tpu.dma_semaphore, #tpu.memory_space<semaphore_mem>>)
      %add3A_51 = arith.constant 1 : i32
      %add3A_52 = arith.addi %add3A_28, %add3A_51 : i32
      %mul3A_53 = arith.constant 80 : i32
      %mul3A_54 = arith.muli %add3A_52, %mul3A_53 : i32
      %dma_wait3A_55 = tpu.memref_slice %arg7[%mul3A_54] : memref<10000xi32, #tpu.memory_space<vmem>> -> memref<80xi32, #tpu.memory_space<vmem>>
      %dma_wait3A_56 = arith.constant 0 : i32
      %dma_wait3A_57 = arith.constant 0 : i32
      %dma_wait3A_58 = tpu.memref_slice %arg2[%dma_wait3A_56, %dma_wait3A_57] : memref<10000x128xf32, #tpu.memory_space<hbm>> -> memref<10000x128xf32, #tpu.memory_space<hbm>>
      tpu.wait_indirect_dma semaphore(%arg12 : memref<!tpu.dma_semaphore, #tpu.memory_space<semaphore_mem>>) src(%dma_wait3A_58 : memref<10000x128xf32, #tpu.memory_space<hbm>>) dst(%arg10 : memref<80x128xf32, #tpu.memory_space<vmem>>)
      %add3A_59 = arith.constant 1 : i32
      %add3A_60 = arith.addi %add3A_28, %add3A_59 : i32
      "tpu.region"() ({
        %run_scoped3A_61 = tpu.sem_alloc : memref<!tpu.dma_semaphore, #tpu.memory_space<semaphore_mem>>
        %dma_start3A_62 = arith.constant 0 : i32
        %dma_start3A_63 = tpu.memref_slice %arg8[%add3A_60, %dma_start3A_62] : memref<125x80xi32, #tpu.memory_space<vmem>> -> memref<1x80xi32, #tpu.memory_space<vmem>>
        %dma_start3A_64 = tpu.memref_squeeze %dma_start3A_63 : memref<1x80xi32, #tpu.memory_space<vmem>> -> memref<80xi32, #tpu.memory_space<vmem>>
        %dma_start3A_65 = arith.constant 0 : i32
        %dma_start3A_66 = arith.constant 0 : i32
        %dma_start3A_67 = tpu.memref_slice %arg13[%dma_start3A_65, %dma_start3A_66] : memref<10240x128xf32, #tpu.memory_space<vmem_shared>> -> memref<10240x128xf32, #tpu.memory_space<vmem_shared>>
        tpu.enqueue_indirect_dma source(%arg10 : memref<80x128xf32, #tpu.memory_space<vmem>>) target(%dma_start3A_67 : memref<10240x128xf32, #tpu.memory_space<vmem_shared>>) offsets(%dma_start3A_64 : memref<80xi32, #tpu.memory_space<vmem>>) semaphore(%run_scoped3A_61 : memref<!tpu.dma_semaphore, #tpu.memory_space<semaphore_mem>>) {add = true}
        %dma_wait3A_68 = arith.constant 0 : i32
        %dma_wait3A_69 = tpu.memref_slice %arg8[%add3A_60, %dma_wait3A_68] : memref<125x80xi32, #tpu.memory_space<vmem>> -> memref<1x80xi32, #tpu.memory_space<vmem>>
        %dma_wait3A_70 = tpu.memref_squeeze %dma_wait3A_69 : memref<1x80xi32, #tpu.memory_space<vmem>> -> memref<80xi32, #tpu.memory_space<vmem>>
        %dma_wait3A_71 = arith.constant 0 : i32
        %dma_wait3A_72 = arith.constant 0 : i32
        %dma_wait3A_73 = tpu.memref_slice %arg13[%dma_wait3A_71, %dma_wait3A_72] : memref<10240x128xf32, #tpu.memory_space<vmem_shared>> -> memref<10240x128xf32, #tpu.memory_space<vmem_shared>>
        tpu.wait_indirect_dma semaphore(%run_scoped3A_61 : memref<!tpu.dma_semaphore, #tpu.memory_space<semaphore_mem>>) src(%arg10 : memref<80x128xf32, #tpu.memory_space<vmem>>) dst(%dma_wait3A_73 : memref<10240x128xf32, #tpu.memory_space<vmem_shared>>)
        tpu.yield
      }) : () -> ()
    }
    %scan3A_14 = arith.constant 62 : i32
    %dma_wait3A = arith.constant 9920 : i32
    %dma_wait3A_15 = tpu.memref_slice %arg7[%dma_wait3A] : memref<10000xi32, #tpu.memory_space<vmem>> -> memref<80xi32, #tpu.memory_space<vmem>>
    %dma_wait3A_16 = arith.constant 0 : i32
    %dma_wait3A_17 = arith.constant 0 : i32
    %dma_wait3A_18 = tpu.memref_slice %arg2[%dma_wait3A_16, %dma_wait3A_17] : memref<10000x128xf32, #tpu.memory_space<hbm>> -> memref<10000x128xf32, #tpu.memory_space<hbm>>
    tpu.wait_indirect_dma semaphore(%arg11 : memref<!tpu.dma_semaphore, #tpu.memory_space<semaphore_mem>>) src(%dma_wait3A_18 : memref<10000x128xf32, #tpu.memory_space<hbm>>) dst(%arg9 : memref<80x128xf32, #tpu.memory_space<vmem>>)
    %run_scoped3A = arith.constant 124 : i32
    "tpu.region"() ({
      %run_scoped3A_24 = tpu.sem_alloc : memref<!tpu.dma_semaphore, #tpu.memory_space<semaphore_mem>>
      %dma_start3A_25 = arith.constant 0 : i32
      %dma_start3A_26 = tpu.memref_slice %arg8[%run_scoped3A, %dma_start3A_25] : memref<125x80xi32, #tpu.memory_space<vmem>> -> memref<1x80xi32, #tpu.memory_space<vmem>>
      %dma_start3A_27 = tpu.memref_squeeze %dma_start3A_26 : memref<1x80xi32, #tpu.memory_space<vmem>> -> memref<80xi32, #tpu.memory_space<vmem>>
      %dma_start3A_28 = arith.constant 0 : i32
      %dma_start3A_29 = arith.constant 0 : i32
      %dma_start3A_30 = tpu.memref_slice %arg13[%dma_start3A_28, %dma_start3A_29] : memref<10240x128xf32, #tpu.memory_space<vmem_shared>> -> memref<10240x128xf32, #tpu.memory_space<vmem_shared>>
      tpu.enqueue_indirect_dma source(%arg9 : memref<80x128xf32, #tpu.memory_space<vmem>>) target(%dma_start3A_30 : memref<10240x128xf32, #tpu.memory_space<vmem_shared>>) offsets(%dma_start3A_27 : memref<80xi32, #tpu.memory_space<vmem>>) semaphore(%run_scoped3A_24 : memref<!tpu.dma_semaphore, #tpu.memory_space<semaphore_mem>>) {add = true}
      %dma_wait3A_31 = arith.constant 0 : i32
      %dma_wait3A_32 = tpu.memref_slice %arg8[%run_scoped3A, %dma_wait3A_31] : memref<125x80xi32, #tpu.memory_space<vmem>> -> memref<1x80xi32, #tpu.memory_space<vmem>>
      %dma_wait3A_33 = tpu.memref_squeeze %dma_wait3A_32 : memref<1x80xi32, #tpu.memory_space<vmem>> -> memref<80xi32, #tpu.memory_space<vmem>>
      %dma_wait3A_34 = arith.constant 0 : i32
      %dma_wait3A_35 = arith.constant 0 : i32
      %dma_wait3A_36 = tpu.memref_slice %arg13[%dma_wait3A_34, %dma_wait3A_35] : memref<10240x128xf32, #tpu.memory_space<vmem_shared>> -> memref<10240x128xf32, #tpu.memory_space<vmem_shared>>
      tpu.wait_indirect_dma semaphore(%run_scoped3A_24 : memref<!tpu.dma_semaphore, #tpu.memory_space<semaphore_mem>>) src(%arg9 : memref<80x128xf32, #tpu.memory_space<vmem>>) dst(%dma_wait3A_36 : memref<10240x128xf32, #tpu.memory_space<vmem_shared>>)
      tpu.yield
    }) : () -> ()
    %barrier3A_19 = arith.constant 0 : index
    tpu.barrier barrier_id(%barrier3A_19)
    %mul3A_20 = arith.constant 640 : i32
    %mul3A_21 = arith.muli %arg1, %mul3A_20 : i32
    %mul3A_22 = arith.constant 640 : i32
    %mul3A_23 = arith.muli %arg1, %mul3A_22 : i32
    "tpu.region"() ({
      %run_scoped3A_24 = tpu.sem_alloc : memref<!tpu.dma_semaphore, #tpu.memory_space<semaphore_mem>>
      %dma_start3A_25 = arith.constant 0 : i32
      %dma_start3A_26 = tpu.memref_slice %arg6[%arg0, %mul3A_23, %dma_start3A_25] : memref<2x10240x128xf32, #tpu.memory_space<hbm>> -> memref<1x640x128xf32, #tpu.memory_space<hbm>>
      %dma_start3A_27 = tpu.memref_squeeze %dma_start3A_26 : memref<1x640x128xf32, #tpu.memory_space<hbm>> -> memref<640x128xf32, #tpu.memory_space<hbm>>
      %dma_start3A_28 = arith.constant 0 : i32
      %dma_start3A_29 = tpu.memref_slice %arg13[%mul3A_21, %dma_start3A_28] : memref<10240x128xf32, #tpu.memory_space<vmem_shared>> -> memref<640x128xf32, #tpu.memory_space<vmem_shared>>
      tpu.enqueue_dma source(%dma_start3A_29 : memref<640x128xf32, #tpu.memory_space<vmem_shared>>) target(%dma_start3A_27 : memref<640x128xf32, #tpu.memory_space<hbm>>) target_semaphore(%run_scoped3A_24 : memref<!tpu.dma_semaphore, #tpu.memory_space<semaphore_mem>>)
      %dma_wait3A_30 = arith.constant 0 : i32
      %dma_wait3A_31 = tpu.memref_slice %arg6[%arg0, %mul3A_23, %dma_wait3A_30] : memref<2x10240x128xf32, #tpu.memory_space<hbm>> -> memref<1x640x128xf32, #tpu.memory_space<hbm>>
      %dma_wait3A_32 = tpu.memref_squeeze %dma_wait3A_31 : memref<1x640x128xf32, #tpu.memory_space<hbm>> -> memref<640x128xf32, #tpu.memory_space<hbm>>
      %dma_wait3A_33 = arith.constant 0 : i32
      %dma_wait3A_34 = tpu.memref_slice %arg13[%mul3A_21, %dma_wait3A_33] : memref<10240x128xf32, #tpu.memory_space<vmem_shared>> -> memref<640x128xf32, #tpu.memory_space<vmem_shared>>
      tpu.wait_dma2 semaphore(%run_scoped3A_24 : memref<!tpu.dma_semaphore, #tpu.memory_space<semaphore_mem>>) src(%dma_wait3A_34 : memref<640x128xf32, #tpu.memory_space<vmem_shared>>) dst(%dma_wait3A_32 : memref<640x128xf32, #tpu.memory_space<hbm>>)
      tpu.yield
    }) : () -> ()
    return
  }
}

#map = affine_map<(d0, d1) -> (0, 0)>
#map1 = affine_map<(d0, d1) -> (0)>
#map2 = affine_map<(d0, d1) -> (0, 0, 0)>
module attributes {stable_mosaic.version = 14 : i64} {
  func.func @agg_kernel(%arg0: i32, %arg1: i32, %arg2: memref<10000x128xf32, #tpu.memory_space<hbm>>, %arg3: memref<320000xi32, #tpu.memory_space<hbm>>, %arg4: memref<32x125x80xi32, #tpu.memory_space<hbm>>, %arg5: memref<640x128xf32, #tpu.memory_space<hbm>>, %arg6: memref<2x10240x128xf32, #tpu.memory_space<hbm>>, %arg7: memref<10000xi32, #tpu.memory_space<vmem>>, %arg8: memref<125x80xi32, #tpu.memory_space<vmem>>, %arg9: memref<80x128xf32, #tpu.memory_space<vmem>>, %arg10: memref<80x128xf32, #tpu.memory_space<vmem>>, %arg11: memref<!tpu.dma_semaphore, #tpu.memory_space<semaphore_mem>>, %arg12: memref<!tpu.dma_semaphore, #tpu.memory_space<semaphore_mem>>, %arg13: memref<10240x128xf32, #tpu.memory_space<vmem_shared>>) attributes {dimension_semantics = [#tpu.dimension_semantics<core_parallel>, #tpu.dimension_semantics<subcore_parallel>], iteration_bounds = array<i64: 2, 16>, scalar_prefetch = 0 : i64, scratch_operands = 7 : i64, tpu.core_type = #tpu.core_type<sc_vector_subcore>, window_params = [{transform_indices = #map}, {transform_indices = #map1}, {transform_indices = #map2}, {transform_indices = #map}, {transform_indices = #map2}]} {
    %mul3A = arith.constant 16 : i32
    %mul3A_0 = arith.muli %arg0, %mul3A : i32
    %add3A = arith.addi %mul3A_0, %arg1 : i32
    %mul3A_1 = arith.constant 640 : i32
    %mul3A_2 = arith.muli %arg1, %mul3A_1 : i32
    "tpu.region"() ({
      %run_scoped3A_24 = tpu.sem_alloc : memref<!tpu.dma_semaphore, #tpu.memory_space<semaphore_mem>>
      %dma_start3A_25 = arith.constant 0 : i32
      %dma_start3A_26 = tpu.memref_slice %arg13[%mul3A_2, %dma_start3A_25] : memref<10240x128xf32, #tpu.memory_space<vmem_shared>> -> memref<640x128xf32, #tpu.memory_space<vmem_shared>>
      tpu.enqueue_dma source(%arg5 : memref<640x128xf32, #tpu.memory_space<hbm>>) target(%dma_start3A_26 : memref<640x128xf32, #tpu.memory_space<vmem_shared>>) target_semaphore(%run_scoped3A_24 : memref<!tpu.dma_semaphore, #tpu.memory_space<semaphore_mem>>)
      %dma_wait3A_27 = arith.constant 0 : i32
      %dma_wait3A_28 = tpu.memref_slice %arg13[%mul3A_2, %dma_wait3A_27] : memref<10240x128xf32, #tpu.memory_space<vmem_shared>> -> memref<640x128xf32, #tpu.memory_space<vmem_shared>>
      tpu.wait_dma2 semaphore(%run_scoped3A_24 : memref<!tpu.dma_semaphore, #tpu.memory_space<semaphore_mem>>) src(%arg5 : memref<640x128xf32, #tpu.memory_space<hbm>>) dst(%dma_wait3A_28 : memref<640x128xf32, #tpu.memory_space<vmem_shared>>)
      tpu.yield
    }) : () -> ()
    %mul3A_3 = arith.constant 125 : i32
    %mul3A_4 = arith.muli %add3A, %mul3A_3 : i32
    %mul3A_5 = arith.constant 80 : i32
    %mul3A_6 = arith.muli %mul3A_4, %mul3A_5 : i32
    "tpu.region"() ({
      %run_scoped3A_24 = tpu.sem_alloc : memref<!tpu.dma_semaphore, #tpu.memory_space<semaphore_mem>>
      %dma_start3A_25 = tpu.memref_slice %arg3[%mul3A_6] : memref<320000xi32, #tpu.memory_space<hbm>> -> memref<10000xi32, #tpu.memory_space<hbm>>
      %dma_start3A_26 = tpu.memref_slice %arg3[%mul3A_6] : memref<320000xi32, #tpu.memory_space<hbm>> -> memref<10000xi32, #tpu.memory_space<hbm>>
      tpu.enqueue_dma source(%dma_start3A_26 : memref<10000xi32, #tpu.memory_space<hbm>>) target(%arg7 : memref<10000xi32, #tpu.memory_space<vmem>>) target_semaphore(%run_scoped3A_24 : memref<!tpu.dma_semaphore, #tpu.memory_space<semaphore_mem>>)
      %dma_wait3A_27 = tpu.memref_slice %arg3[%mul3A_6] : memref<320000xi32, #tpu.memory_space<hbm>> -> memref<10000xi32, #tpu.memory_space<hbm>>
      %dma_wait3A_28 = tpu.memref_slice %arg3[%mul3A_6] : memref<320000xi32, #tpu.memory_space<hbm>> -> memref<10000xi32, #tpu.memory_space<hbm>>
      tpu.wait_dma2 semaphore(%run_scoped3A_24 : memref<!tpu.dma_semaphore, #tpu.memory_space<semaphore_mem>>) src(%dma_wait3A_28 : memref<10000xi32, #tpu.memory_space<hbm>>) dst(%arg7 : memref<10000xi32, #tpu.memory_space<vmem>>)
      tpu.yield
    }) : () -> ()
    "tpu.region"() ({
      %run_scoped3A_24 = tpu.sem_alloc : memref<!tpu.dma_semaphore, #tpu.memory_space<semaphore_mem>>
      %dma_start3A_25 = arith.constant 0 : i32
      %dma_start3A_26 = arith.constant 0 : i32
      %dma_start3A_27 = tpu.memref_slice %arg4[%add3A, %dma_start3A_25, %dma_start3A_26] : memref<32x125x80xi32, #tpu.memory_space<hbm>> -> memref<1x125x80xi32, #tpu.memory_space<hbm>>
      %dma_start3A_28 = tpu.memref_squeeze %dma_start3A_27 : memref<1x125x80xi32, #tpu.memory_space<hbm>> -> memref<125x80xi32, #tpu.memory_space<hbm>>
      %dma_start3A_29 = arith.constant 0 : i32
      %dma_start3A_30 = arith.constant 0 : i32
      %dma_start3A_31 = tpu.memref_slice %arg4[%add3A, %dma_start3A_29, %dma_start3A_30] : memref<32x125x80xi32, #tpu.memory_space<hbm>> -> memref<1x125x80xi32, #tpu.memory_space<hbm>>
      %dma_start3A_32 = tpu.memref_squeeze %dma_start3A_31 : memref<1x125x80xi32, #tpu.memory_space<hbm>> -> memref<125x80xi32, #tpu.memory_space<hbm>>
      tpu.enqueue_dma source(%dma_start3A_32 : memref<125x80xi32, #tpu.memory_space<hbm>>) target(%arg8 : memref<125x80xi32, #tpu.memory_space<vmem>>) target_semaphore(%run_scoped3A_24 : memref<!tpu.dma_semaphore, #tpu.memory_space<semaphore_mem>>)
      %dma_wait3A_33 = arith.constant 0 : i32
      %dma_wait3A_34 = arith.constant 0 : i32
      %dma_wait3A_35 = tpu.memref_slice %arg4[%add3A, %dma_wait3A_33, %dma_wait3A_34] : memref<32x125x80xi32, #tpu.memory_space<hbm>> -> memref<1x125x80xi32, #tpu.memory_space<hbm>>
      %dma_wait3A_36 = tpu.memref_squeeze %dma_wait3A_35 : memref<1x125x80xi32, #tpu.memory_space<hbm>> -> memref<125x80xi32, #tpu.memory_space<hbm>>
      %dma_wait3A_37 = arith.constant 0 : i32
      %dma_wait3A_38 = arith.constant 0 : i32
      %dma_wait3A_39 = tpu.memref_slice %arg4[%add3A, %dma_wait3A_37, %dma_wait3A_38] : memref<32x125x80xi32, #tpu.memory_space<hbm>> -> memref<1x125x80xi32, #tpu.memory_space<hbm>>
      %dma_wait3A_40 = tpu.memref_squeeze %dma_wait3A_39 : memref<1x125x80xi32, #tpu.memory_space<hbm>> -> memref<125x80xi32, #tpu.memory_space<hbm>>
      tpu.wait_dma2 semaphore(%run_scoped3A_24 : memref<!tpu.dma_semaphore, #tpu.memory_space<semaphore_mem>>) src(%dma_wait3A_40 : memref<125x80xi32, #tpu.memory_space<hbm>>) dst(%arg8 : memref<125x80xi32, #tpu.memory_space<vmem>>)
      tpu.yield
    }) : () -> ()
    %barrier3A = arith.constant 0 : index
    tpu.barrier barrier_id(%barrier3A)
    %dma_start3A = arith.constant 0 : i32
    %dma_start3A_7 = tpu.memref_slice %arg7[%dma_start3A] : memref<10000xi32, #tpu.memory_space<vmem>> -> memref<80xi32, #tpu.memory_space<vmem>>
    %dma_start3A_8 = arith.constant 0 : i32
    %dma_start3A_9 = arith.constant 0 : i32
    %dma_start3A_10 = tpu.memref_slice %arg2[%dma_start3A_8, %dma_start3A_9] : memref<10000x128xf32, #tpu.memory_space<hbm>> -> memref<10000x128xf32, #tpu.memory_space<hbm>>
    tpu.enqueue_indirect_dma source(%dma_start3A_10 : memref<10000x128xf32, #tpu.memory_space<hbm>>) target(%arg9 : memref<80x128xf32, #tpu.memory_space<vmem>>) offsets(%dma_start3A_7 : memref<80xi32, #tpu.memory_space<vmem>>) semaphore(%arg11 : memref<!tpu.dma_semaphore, #tpu.memory_space<semaphore_mem>>)
    %scan3A = arith.constant 0 : i32
    %scan3A_11 = arith.constant 62 : i32
    %scan3A_12 = arith.addi %scan3A, %scan3A_11 : i32
    %scan3A_13 = arith.constant 1 : i32
    scf.for %scan3A_24 = %scan3A to %scan3A_12 step %scan3A_13  : i32 {
      %mul3A_25 = arith.constant 2 : i32
      %mul3A_26 = arith.muli %scan3A_24, %mul3A_25 : i32
      %add3A_27 = arith.constant 0 : i32
      %add3A_28 = arith.addi %add3A_27, %mul3A_26 : i32
      %add3A_29 = arith.constant 1 : i32
      %add3A_30 = arith.addi %add3A_28, %add3A_29 : i32
      %mul3A_31 = arith.constant 80 : i32
      %mul3A_32 = arith.muli %add3A_30, %mul3A_31 : i32
      %dma_start3A_33 = tpu.memref_slice %arg7[%mul3A_32] : memref<10000xi32, #tpu.memory_space<vmem>> -> memref<80xi32, #tpu.memory_space<vmem>>
      %dma_start3A_34 = arith.constant 0 : i32
      %dma_start3A_35 = arith.constant 0 : i32
      %dma_start3A_36 = tpu.memref_slice %arg2[%dma_start3A_34, %dma_start3A_35] : memref<10000x128xf32, #tpu.memory_space<hbm>> -> memref<10000x128xf32, #tpu.memory_space<hbm>>
      tpu.enqueue_indirect_dma source(%dma_start3A_36 : memref<10000x128xf32, #tpu.memory_space<hbm>>) target(%arg10 : memref<80x128xf32, #tpu.memory_space<vmem>>) offsets(%dma_start3A_33 : memref<80xi32, #tpu.memory_space<vmem>>) semaphore(%arg12 : memref<!tpu.dma_semaphore, #tpu.memory_space<semaphore_mem>>)
      %mul3A_37 = arith.constant 80 : i32
      %mul3A_38 = arith.muli %add3A_28, %mul3A_37 : i32
      %dma_wait3A_39 = tpu.memref_slice %arg7[%mul3A_38] : memref<10000xi32, #tpu.memory_space<vmem>> -> memref<80xi32, #tpu.memory_space<vmem>>
      %dma_wait3A_40 = arith.constant 0 : i32
      %dma_wait3A_41 = arith.constant 0 : i32
      %dma_wait3A_42 = tpu.memref_slice %arg2[%dma_wait3A_40, %dma_wait3A_41] : memref<10000x128xf32, #tpu.memory_space<hbm>> -> memref<10000x128xf32, #tpu.memory_space<hbm>>
      tpu.wait_indirect_dma semaphore(%arg11 : memref<!tpu.dma_semaphore, #tpu.memory_space<semaphore_mem>>) src(%dma_wait3A_42 : memref<10000x128xf32, #tpu.memory_space<hbm>>) dst(%arg9 : memref<80x128xf32, #tpu.memory_space<vmem>>)
      "tpu.region"() ({
        %run_scoped3A_61 = tpu.sem_alloc : memref<!tpu.dma_semaphore, #tpu.memory_space<semaphore_mem>>
        %dma_start3A_62 = arith.constant 0 : i32
        %dma_start3A_63 = tpu.memref_slice %arg8[%add3A_28, %dma_start3A_62] : memref<125x80xi32, #tpu.memory_space<vmem>> -> memref<1x80xi32, #tpu.memory_space<vmem>>
        %dma_start3A_64 = tpu.memref_squeeze %dma_start3A_63 : memref<1x80xi32, #tpu.memory_space<vmem>> -> memref<80xi32, #tpu.memory_space<vmem>>
        %dma_start3A_65 = arith.constant 0 : i32
        %dma_start3A_66 = arith.constant 0 : i32
        %dma_start3A_67 = tpu.memref_slice %arg13[%dma_start3A_65, %dma_start3A_66] : memref<10240x128xf32, #tpu.memory_space<vmem_shared>> -> memref<10240x128xf32, #tpu.memory_space<vmem_shared>>
        tpu.enqueue_indirect_dma source(%arg9 : memref<80x128xf32, #tpu.memory_space<vmem>>) target(%dma_start3A_67 : memref<10240x128xf32, #tpu.memory_space<vmem_shared>>) offsets(%dma_start3A_64 : memref<80xi32, #tpu.memory_space<vmem>>) semaphore(%run_scoped3A_61 : memref<!tpu.dma_semaphore, #tpu.memory_space<semaphore_mem>>) {add = true}
        %dma_wait3A_68 = arith.constant 0 : i32
        %dma_wait3A_69 = tpu.memref_slice %arg8[%add3A_28, %dma_wait3A_68] : memref<125x80xi32, #tpu.memory_space<vmem>> -> memref<1x80xi32, #tpu.memory_space<vmem>>
        %dma_wait3A_70 = tpu.memref_squeeze %dma_wait3A_69 : memref<1x80xi32, #tpu.memory_space<vmem>> -> memref<80xi32, #tpu.memory_space<vmem>>
        %dma_wait3A_71 = arith.constant 0 : i32
        %dma_wait3A_72 = arith.constant 0 : i32
        %dma_wait3A_73 = tpu.memref_slice %arg13[%dma_wait3A_71, %dma_wait3A_72] : memref<10240x128xf32, #tpu.memory_space<vmem_shared>> -> memref<10240x128xf32, #tpu.memory_space<vmem_shared>>
        tpu.wait_indirect_dma semaphore(%run_scoped3A_61 : memref<!tpu.dma_semaphore, #tpu.memory_space<semaphore_mem>>) src(%arg9 : memref<80x128xf32, #tpu.memory_space<vmem>>) dst(%dma_wait3A_73 : memref<10240x128xf32, #tpu.memory_space<vmem_shared>>)
        tpu.yield
      }) : () -> ()
      %add3A_43 = arith.constant 2 : i32
      %add3A_44 = arith.addi %add3A_28, %add3A_43 : i32
      %mul3A_45 = arith.constant 80 : i32
      %mul3A_46 = arith.muli %add3A_44, %mul3A_45 : i32
      %dma_start3A_47 = tpu.memref_slice %arg7[%mul3A_46] : memref<10000xi32, #tpu.memory_space<vmem>> -> memref<80xi32, #tpu.memory_space<vmem>>
      %dma_start3A_48 = arith.constant 0 : i32
      %dma_start3A_49 = arith.constant 0 : i32
      %dma_start3A_50 = tpu.memref_slice %arg2[%dma_start3A_48, %dma_start3A_49] : memref<10000x128xf32, #tpu.memory_space<hbm>> -> memref<10000x128xf32, #tpu.memory_space<hbm>>
      tpu.enqueue_indirect_dma source(%dma_start3A_50 : memref<10000x128xf32, #tpu.memory_space<hbm>>) target(%arg9 : memref<80x128xf32, #tpu.memory_space<vmem>>) offsets(%dma_start3A_47 : memref<80xi32, #tpu.memory_space<vmem>>) semaphore(%arg11 : memref<!tpu.dma_semaphore, #tpu.memory_space<semaphore_mem>>)
      %add3A_51 = arith.constant 1 : i32
      %add3A_52 = arith.addi %add3A_28, %add3A_51 : i32
      %mul3A_53 = arith.constant 80 : i32
      %mul3A_54 = arith.muli %add3A_52, %mul3A_53 : i32
      %dma_wait3A_55 = tpu.memref_slice %arg7[%mul3A_54] : memref<10000xi32, #tpu.memory_space<vmem>> -> memref<80xi32, #tpu.memory_space<vmem>>
      %dma_wait3A_56 = arith.constant 0 : i32
      %dma_wait3A_57 = arith.constant 0 : i32
      %dma_wait3A_58 = tpu.memref_slice %arg2[%dma_wait3A_56, %dma_wait3A_57] : memref<10000x128xf32, #tpu.memory_space<hbm>> -> memref<10000x128xf32, #tpu.memory_space<hbm>>
      tpu.wait_indirect_dma semaphore(%arg12 : memref<!tpu.dma_semaphore, #tpu.memory_space<semaphore_mem>>) src(%dma_wait3A_58 : memref<10000x128xf32, #tpu.memory_space<hbm>>) dst(%arg10 : memref<80x128xf32, #tpu.memory_space<vmem>>)
      %add3A_59 = arith.constant 1 : i32
      %add3A_60 = arith.addi %add3A_28, %add3A_59 : i32
      "tpu.region"() ({
        %run_scoped3A_61 = tpu.sem_alloc : memref<!tpu.dma_semaphore, #tpu.memory_space<semaphore_mem>>
        %dma_start3A_62 = arith.constant 0 : i32
        %dma_start3A_63 = tpu.memref_slice %arg8[%add3A_60, %dma_start3A_62] : memref<125x80xi32, #tpu.memory_space<vmem>> -> memref<1x80xi32, #tpu.memory_space<vmem>>
        %dma_start3A_64 = tpu.memref_squeeze %dma_start3A_63 : memref<1x80xi32, #tpu.memory_space<vmem>> -> memref<80xi32, #tpu.memory_space<vmem>>
        %dma_start3A_65 = arith.constant 0 : i32
        %dma_start3A_66 = arith.constant 0 : i32
        %dma_start3A_67 = tpu.memref_slice %arg13[%dma_start3A_65, %dma_start3A_66] : memref<10240x128xf32, #tpu.memory_space<vmem_shared>> -> memref<10240x128xf32, #tpu.memory_space<vmem_shared>>
        tpu.enqueue_indirect_dma source(%arg10 : memref<80x128xf32, #tpu.memory_space<vmem>>) target(%dma_start3A_67 : memref<10240x128xf32, #tpu.memory_space<vmem_shared>>) offsets(%dma_start3A_64 : memref<80xi32, #tpu.memory_space<vmem>>) semaphore(%run_scoped3A_61 : memref<!tpu.dma_semaphore, #tpu.memory_space<semaphore_mem>>) {add = true}
        %dma_wait3A_68 = arith.constant 0 : i32
        %dma_wait3A_69 = tpu.memref_slice %arg8[%add3A_60, %dma_wait3A_68] : memref<125x80xi32, #tpu.memory_space<vmem>> -> memref<1x80xi32, #tpu.memory_space<vmem>>
        %dma_wait3A_70 = tpu.memref_squeeze %dma_wait3A_69 : memref<1x80xi32, #tpu.memory_space<vmem>> -> memref<80xi32, #tpu.memory_space<vmem>>
        %dma_wait3A_71 = arith.constant 0 : i32
        %dma_wait3A_72 = arith.constant 0 : i32
        %dma_wait3A_73 = tpu.memref_slice %arg13[%dma_wait3A_71, %dma_wait3A_72] : memref<10240x128xf32, #tpu.memory_space<vmem_shared>> -> memref<10240x128xf32, #tpu.memory_space<vmem_shared>>
        tpu.wait_indirect_dma semaphore(%run_scoped3A_61 : memref<!tpu.dma_semaphore, #tpu.memory_space<semaphore_mem>>) src(%arg10 : memref<80x128xf32, #tpu.memory_space<vmem>>) dst(%dma_wait3A_73 : memref<10240x128xf32, #tpu.memory_space<vmem_shared>>)
        tpu.yield
      }) : () -> ()
    }
    %scan3A_14 = arith.constant 62 : i32
    %dma_wait3A = arith.constant 9920 : i32
    %dma_wait3A_15 = tpu.memref_slice %arg7[%dma_wait3A] : memref<10000xi32, #tpu.memory_space<vmem>> -> memref<80xi32, #tpu.memory_space<vmem>>
    %dma_wait3A_16 = arith.constant 0 : i32
    %dma_wait3A_17 = arith.constant 0 : i32
    %dma_wait3A_18 = tpu.memref_slice %arg2[%dma_wait3A_16, %dma_wait3A_17] : memref<10000x128xf32, #tpu.memory_space<hbm>> -> memref<10000x128xf32, #tpu.memory_space<hbm>>
    tpu.wait_indirect_dma semaphore(%arg11 : memref<!tpu.dma_semaphore, #tpu.memory_space<semaphore_mem>>) src(%dma_wait3A_18 : memref<10000x128xf32, #tpu.memory_space<hbm>>) dst(%arg9 : memref<80x128xf32, #tpu.memory_space<vmem>>)
    %run_scoped3A = arith.constant 124 : i32
    "tpu.region"() ({
      %run_scoped3A_24 = tpu.sem_alloc : memref<!tpu.dma_semaphore, #tpu.memory_space<semaphore_mem>>
      %dma_start3A_25 = arith.constant 0 : i32
      %dma_start3A_26 = tpu.memref_slice %arg8[%run_scoped3A, %dma_start3A_25] : memref<125x80xi32, #tpu.memory_space<vmem>> -> memref<1x80xi32, #tpu.memory_space<vmem>>
      %dma_start3A_27 = tpu.memref_squeeze %dma_start3A_26 : memref<1x80xi32, #tpu.memory_space<vmem>> -> memref<80xi32, #tpu.memory_space<vmem>>
      %dma_start3A_28 = arith.constant 0 : i32
      %dma_start3A_29 = arith.constant 0 : i32
      %dma_start3A_30 = tpu.memref_slice %arg13[%dma_start3A_28, %dma_start3A_29] : memref<10240x128xf32, #tpu.memory_space<vmem_shared>> -> memref<10240x128xf32, #tpu.memory_space<vmem_shared>>
      tpu.enqueue_indirect_dma source(%arg9 : memref<80x128xf32, #tpu.memory_space<vmem>>) target(%dma_start3A_30 : memref<10240x128xf32, #tpu.memory_space<vmem_shared>>) offsets(%dma_start3A_27 : memref<80xi32, #tpu.memory_space<vmem>>) semaphore(%run_scoped3A_24 : memref<!tpu.dma_semaphore, #tpu.memory_space<semaphore_mem>>) {add = true}
      %dma_wait3A_31 = arith.constant 0 : i32
      %dma_wait3A_32 = tpu.memref_slice %arg8[%run_scoped3A, %dma_wait3A_31] : memref<125x80xi32, #tpu.memory_space<vmem>> -> memref<1x80xi32, #tpu.memory_space<vmem>>
      %dma_wait3A_33 = tpu.memref_squeeze %dma_wait3A_32 : memref<1x80xi32, #tpu.memory_space<vmem>> -> memref<80xi32, #tpu.memory_space<vmem>>
      %dma_wait3A_34 = arith.constant 0 : i32
      %dma_wait3A_35 = arith.constant 0 : i32
      %dma_wait3A_36 = tpu.memref_slice %arg13[%dma_wait3A_34, %dma_wait3A_35] : memref<10240x128xf32, #tpu.memory_space<vmem_shared>> -> memref<10240x128xf32, #tpu.memory_space<vmem_shared>>
      tpu.wait_indirect_dma semaphore(%run_scoped3A_24 : memref<!tpu.dma_semaphore, #tpu.memory_space<semaphore_mem>>) src(%arg9 : memref<80x128xf32, #tpu.memory_space<vmem>>) dst(%dma_wait3A_36 : memref<10240x128xf32, #tpu.memory_space<vmem_shared>>)
      tpu.yield
    }) : () -> ()
    %barrier3A_19 = arith.constant 0 : index
    tpu.barrier barrier_id(%barrier3A_19)
    %mul3A_20 = arith.constant 640 : i32
    %mul3A_21 = arith.muli %arg1, %mul3A_20 : i32
    %mul3A_22 = arith.constant 640 : i32
    %mul3A_23 = arith.muli %arg1, %mul3A_22 : i32
    "tpu.region"() ({
      %run_scoped3A_24 = tpu.sem_alloc : memref<!tpu.dma_semaphore, #tpu.memory_space<semaphore_mem>>
      %dma_start3A_25 = arith.constant 0 : i32
      %dma_start3A_26 = tpu.memref_slice %arg6[%arg0, %mul3A_23, %dma_start3A_25] : memref<2x10240x128xf32, #tpu.memory_space<hbm>> -> memref<1x640x128xf32, #tpu.memory_space<hbm>>
      %dma_start3A_27 = tpu.memref_squeeze %dma_start3A_26 : memref<1x640x128xf32, #tpu.memory_space<hbm>> -> memref<640x128xf32, #tpu.memory_space<hbm>>
      %dma_start3A_28 = arith.constant 0 : i32
      %dma_start3A_29 = tpu.memref_slice %arg13[%mul3A_21, %dma_start3A_28] : memref<10240x128xf32, #tpu.memory_space<vmem_shared>> -> memref<640x128xf32, #tpu.memory_space<vmem_shared>>
      tpu.enqueue_dma source(%dma_start3A_29 : memref<640x128xf32, #tpu.memory_space<vmem_shared>>) target(%dma_start3A_27 : memref<640x128xf32, #tpu.memory_space<hbm>>) target_semaphore(%run_scoped3A_24 : memref<!tpu.dma_semaphore, #tpu.memory_space<semaphore_mem>>)
      %dma_wait3A_30 = arith.constant 0 : i32
      %dma_wait3A_31 = tpu.memref_slice %arg6[%arg0, %mul3A_23, %dma_wait3A_30] : memref<2x10240x128xf32, #tpu.memory_space<hbm>> -> memref<1x640x128xf32, #tpu.memory_space<hbm>>
      %dma_wait3A_32 = tpu.memref_squeeze %dma_wait3A_31 : memref<1x640x128xf32, #tpu.memory_space<hbm>> -> memref<640x128xf32, #tpu.memory_space<hbm>>
      %dma_wait3A_33 = arith.constant 0 : i32
      %dma_wait3A_34 = tpu.memref_slice %arg13[%mul3A_21, %dma_wait3A_33] : memref<10240x128xf32, #tpu.memory_space<vmem_shared>> -> memref<640x128xf32, #tpu.memory_space<vmem_shared>>
      tpu.wait_dma2 semaphore(%run_scoped3A_24 : memref<!tpu.dma_semaphore, #tpu.memory_space<semaphore_mem>>) src(%dma_wait3A_34 : memref<640x128xf32, #tpu.memory_space<vmem_shared>>) dst(%dma_wait3A_32 : memref<640x128xf32, #tpu.memory_space<hbm>>)
      tpu.yield
    }) : () -> ()
    return
  }
}

#map = affine_map<(d0, d1) -> (0, 0)>
#map1 = affine_map<(d0, d1) -> (0)>
#map2 = affine_map<(d0, d1) -> (0, 0, 0)>
module attributes {stable_mosaic.version = 14 : i64} {
  func.func @agg_kernel(%arg0: i32, %arg1: i32, %arg2: memref<10000x128xf32, #tpu.memory_space<hbm>>, %arg3: memref<320000xi32, #tpu.memory_space<hbm>>, %arg4: memref<32x125x80xi32, #tpu.memory_space<hbm>>, %arg5: memref<640x128xf32, #tpu.memory_space<hbm>>, %arg6: memref<2x10240x128xf32, #tpu.memory_space<hbm>>, %arg7: memref<10000xi32, #tpu.memory_space<vmem>>, %arg8: memref<125x80xi32, #tpu.memory_space<vmem>>, %arg9: memref<80x128xf32, #tpu.memory_space<vmem>>, %arg10: memref<80x128xf32, #tpu.memory_space<vmem>>, %arg11: memref<!tpu.dma_semaphore, #tpu.memory_space<semaphore_mem>>, %arg12: memref<!tpu.dma_semaphore, #tpu.memory_space<semaphore_mem>>, %arg13: memref<10240x128xf32, #tpu.memory_space<vmem_shared>>) attributes {dimension_semantics = [#tpu.dimension_semantics<core_parallel>, #tpu.dimension_semantics<subcore_parallel>], iteration_bounds = array<i64: 2, 16>, scalar_prefetch = 0 : i64, scratch_operands = 7 : i64, tpu.core_type = #tpu.core_type<sc_vector_subcore>, window_params = [{transform_indices = #map}, {transform_indices = #map1}, {transform_indices = #map2}, {transform_indices = #map}, {transform_indices = #map2}]} {
    %mul3A = arith.constant 16 : i32
    %mul3A_0 = arith.muli %arg0, %mul3A : i32
    %add3A = arith.addi %mul3A_0, %arg1 : i32
    %mul3A_1 = arith.constant 640 : i32
    %mul3A_2 = arith.muli %arg1, %mul3A_1 : i32
    "tpu.region"() ({
      %run_scoped3A_24 = tpu.sem_alloc : memref<!tpu.dma_semaphore, #tpu.memory_space<semaphore_mem>>
      %dma_start3A_25 = arith.constant 0 : i32
      %dma_start3A_26 = tpu.memref_slice %arg13[%mul3A_2, %dma_start3A_25] : memref<10240x128xf32, #tpu.memory_space<vmem_shared>> -> memref<640x128xf32, #tpu.memory_space<vmem_shared>>
      tpu.enqueue_dma source(%arg5 : memref<640x128xf32, #tpu.memory_space<hbm>>) target(%dma_start3A_26 : memref<640x128xf32, #tpu.memory_space<vmem_shared>>) target_semaphore(%run_scoped3A_24 : memref<!tpu.dma_semaphore, #tpu.memory_space<semaphore_mem>>)
      %dma_wait3A_27 = arith.constant 0 : i32
      %dma_wait3A_28 = tpu.memref_slice %arg13[%mul3A_2, %dma_wait3A_27] : memref<10240x128xf32, #tpu.memory_space<vmem_shared>> -> memref<640x128xf32, #tpu.memory_space<vmem_shared>>
      tpu.wait_dma2 semaphore(%run_scoped3A_24 : memref<!tpu.dma_semaphore, #tpu.memory_space<semaphore_mem>>) src(%arg5 : memref<640x128xf32, #tpu.memory_space<hbm>>) dst(%dma_wait3A_28 : memref<640x128xf32, #tpu.memory_space<vmem_shared>>)
      tpu.yield
    }) : () -> ()
    %mul3A_3 = arith.constant 125 : i32
    %mul3A_4 = arith.muli %add3A, %mul3A_3 : i32
    %mul3A_5 = arith.constant 80 : i32
    %mul3A_6 = arith.muli %mul3A_4, %mul3A_5 : i32
    "tpu.region"() ({
      %run_scoped3A_24 = tpu.sem_alloc : memref<!tpu.dma_semaphore, #tpu.memory_space<semaphore_mem>>
      %dma_start3A_25 = tpu.memref_slice %arg3[%mul3A_6] : memref<320000xi32, #tpu.memory_space<hbm>> -> memref<10000xi32, #tpu.memory_space<hbm>>
      %dma_start3A_26 = tpu.memref_slice %arg3[%mul3A_6] : memref<320000xi32, #tpu.memory_space<hbm>> -> memref<10000xi32, #tpu.memory_space<hbm>>
      tpu.enqueue_dma source(%dma_start3A_26 : memref<10000xi32, #tpu.memory_space<hbm>>) target(%arg7 : memref<10000xi32, #tpu.memory_space<vmem>>) target_semaphore(%run_scoped3A_24 : memref<!tpu.dma_semaphore, #tpu.memory_space<semaphore_mem>>)
      %dma_wait3A_27 = tpu.memref_slice %arg3[%mul3A_6] : memref<320000xi32, #tpu.memory_space<hbm>> -> memref<10000xi32, #tpu.memory_space<hbm>>
      %dma_wait3A_28 = tpu.memref_slice %arg3[%mul3A_6] : memref<320000xi32, #tpu.memory_space<hbm>> -> memref<10000xi32, #tpu.memory_space<hbm>>
      tpu.wait_dma2 semaphore(%run_scoped3A_24 : memref<!tpu.dma_semaphore, #tpu.memory_space<semaphore_mem>>) src(%dma_wait3A_28 : memref<10000xi32, #tpu.memory_space<hbm>>) dst(%arg7 : memref<10000xi32, #tpu.memory_space<vmem>>)
      tpu.yield
    }) : () -> ()
    "tpu.region"() ({
      %run_scoped3A_24 = tpu.sem_alloc : memref<!tpu.dma_semaphore, #tpu.memory_space<semaphore_mem>>
      %dma_start3A_25 = arith.constant 0 : i32
      %dma_start3A_26 = arith.constant 0 : i32
      %dma_start3A_27 = tpu.memref_slice %arg4[%add3A, %dma_start3A_25, %dma_start3A_26] : memref<32x125x80xi32, #tpu.memory_space<hbm>> -> memref<1x125x80xi32, #tpu.memory_space<hbm>>
      %dma_start3A_28 = tpu.memref_squeeze %dma_start3A_27 : memref<1x125x80xi32, #tpu.memory_space<hbm>> -> memref<125x80xi32, #tpu.memory_space<hbm>>
      %dma_start3A_29 = arith.constant 0 : i32
      %dma_start3A_30 = arith.constant 0 : i32
      %dma_start3A_31 = tpu.memref_slice %arg4[%add3A, %dma_start3A_29, %dma_start3A_30] : memref<32x125x80xi32, #tpu.memory_space<hbm>> -> memref<1x125x80xi32, #tpu.memory_space<hbm>>
      %dma_start3A_32 = tpu.memref_squeeze %dma_start3A_31 : memref<1x125x80xi32, #tpu.memory_space<hbm>> -> memref<125x80xi32, #tpu.memory_space<hbm>>
      tpu.enqueue_dma source(%dma_start3A_32 : memref<125x80xi32, #tpu.memory_space<hbm>>) target(%arg8 : memref<125x80xi32, #tpu.memory_space<vmem>>) target_semaphore(%run_scoped3A_24 : memref<!tpu.dma_semaphore, #tpu.memory_space<semaphore_mem>>)
      %dma_wait3A_33 = arith.constant 0 : i32
      %dma_wait3A_34 = arith.constant 0 : i32
      %dma_wait3A_35 = tpu.memref_slice %arg4[%add3A, %dma_wait3A_33, %dma_wait3A_34] : memref<32x125x80xi32, #tpu.memory_space<hbm>> -> memref<1x125x80xi32, #tpu.memory_space<hbm>>
      %dma_wait3A_36 = tpu.memref_squeeze %dma_wait3A_35 : memref<1x125x80xi32, #tpu.memory_space<hbm>> -> memref<125x80xi32, #tpu.memory_space<hbm>>
      %dma_wait3A_37 = arith.constant 0 : i32
      %dma_wait3A_38 = arith.constant 0 : i32
      %dma_wait3A_39 = tpu.memref_slice %arg4[%add3A, %dma_wait3A_37, %dma_wait3A_38] : memref<32x125x80xi32, #tpu.memory_space<hbm>> -> memref<1x125x80xi32, #tpu.memory_space<hbm>>
      %dma_wait3A_40 = tpu.memref_squeeze %dma_wait3A_39 : memref<1x125x80xi32, #tpu.memory_space<hbm>> -> memref<125x80xi32, #tpu.memory_space<hbm>>
      tpu.wait_dma2 semaphore(%run_scoped3A_24 : memref<!tpu.dma_semaphore, #tpu.memory_space<semaphore_mem>>) src(%dma_wait3A_40 : memref<125x80xi32, #tpu.memory_space<hbm>>) dst(%arg8 : memref<125x80xi32, #tpu.memory_space<vmem>>)
      tpu.yield
    }) : () -> ()
    %barrier3A = arith.constant 0 : index
    tpu.barrier barrier_id(%barrier3A)
    %dma_start3A = arith.constant 0 : i32
    %dma_start3A_7 = tpu.memref_slice %arg7[%dma_start3A] : memref<10000xi32, #tpu.memory_space<vmem>> -> memref<80xi32, #tpu.memory_space<vmem>>
    %dma_start3A_8 = arith.constant 0 : i32
    %dma_start3A_9 = arith.constant 0 : i32
    %dma_start3A_10 = tpu.memref_slice %arg2[%dma_start3A_8, %dma_start3A_9] : memref<10000x128xf32, #tpu.memory_space<hbm>> -> memref<10000x128xf32, #tpu.memory_space<hbm>>
    tpu.enqueue_indirect_dma source(%dma_start3A_10 : memref<10000x128xf32, #tpu.memory_space<hbm>>) target(%arg9 : memref<80x128xf32, #tpu.memory_space<vmem>>) offsets(%dma_start3A_7 : memref<80xi32, #tpu.memory_space<vmem>>) semaphore(%arg11 : memref<!tpu.dma_semaphore, #tpu.memory_space<semaphore_mem>>)
    %scan3A = arith.constant 0 : i32
    %scan3A_11 = arith.constant 62 : i32
    %scan3A_12 = arith.addi %scan3A, %scan3A_11 : i32
    %scan3A_13 = arith.constant 1 : i32
    scf.for %scan3A_24 = %scan3A to %scan3A_12 step %scan3A_13  : i32 {
      %mul3A_25 = arith.constant 2 : i32
      %mul3A_26 = arith.muli %scan3A_24, %mul3A_25 : i32
      %add3A_27 = arith.constant 0 : i32
      %add3A_28 = arith.addi %add3A_27, %mul3A_26 : i32
      %add3A_29 = arith.constant 1 : i32
      %add3A_30 = arith.addi %add3A_28, %add3A_29 : i32
      %mul3A_31 = arith.constant 80 : i32
      %mul3A_32 = arith.muli %add3A_30, %mul3A_31 : i32
      %dma_start3A_33 = tpu.memref_slice %arg7[%mul3A_32] : memref<10000xi32, #tpu.memory_space<vmem>> -> memref<80xi32, #tpu.memory_space<vmem>>
      %dma_start3A_34 = arith.constant 0 : i32
      %dma_start3A_35 = arith.constant 0 : i32
      %dma_start3A_36 = tpu.memref_slice %arg2[%dma_start3A_34, %dma_start3A_35] : memref<10000x128xf32, #tpu.memory_space<hbm>> -> memref<10000x128xf32, #tpu.memory_space<hbm>>
      tpu.enqueue_indirect_dma source(%dma_start3A_36 : memref<10000x128xf32, #tpu.memory_space<hbm>>) target(%arg10 : memref<80x128xf32, #tpu.memory_space<vmem>>) offsets(%dma_start3A_33 : memref<80xi32, #tpu.memory_space<vmem>>) semaphore(%arg12 : memref<!tpu.dma_semaphore, #tpu.memory_space<semaphore_mem>>)
      %mul3A_37 = arith.constant 80 : i32
      %mul3A_38 = arith.muli %add3A_28, %mul3A_37 : i32
      %dma_wait3A_39 = tpu.memref_slice %arg7[%mul3A_38] : memref<10000xi32, #tpu.memory_space<vmem>> -> memref<80xi32, #tpu.memory_space<vmem>>
      %dma_wait3A_40 = arith.constant 0 : i32
      %dma_wait3A_41 = arith.constant 0 : i32
      %dma_wait3A_42 = tpu.memref_slice %arg2[%dma_wait3A_40, %dma_wait3A_41] : memref<10000x128xf32, #tpu.memory_space<hbm>> -> memref<10000x128xf32, #tpu.memory_space<hbm>>
      tpu.wait_indirect_dma semaphore(%arg11 : memref<!tpu.dma_semaphore, #tpu.memory_space<semaphore_mem>>) src(%dma_wait3A_42 : memref<10000x128xf32, #tpu.memory_space<hbm>>) dst(%arg9 : memref<80x128xf32, #tpu.memory_space<vmem>>)
      "tpu.region"() ({
        %run_scoped3A_61 = tpu.sem_alloc : memref<!tpu.dma_semaphore, #tpu.memory_space<semaphore_mem>>
        %dma_start3A_62 = arith.constant 0 : i32
        %dma_start3A_63 = tpu.memref_slice %arg8[%add3A_28, %dma_start3A_62] : memref<125x80xi32, #tpu.memory_space<vmem>> -> memref<1x80xi32, #tpu.memory_space<vmem>>
        %dma_start3A_64 = tpu.memref_squeeze %dma_start3A_63 : memref<1x80xi32, #tpu.memory_space<vmem>> -> memref<80xi32, #tpu.memory_space<vmem>>
        %dma_start3A_65 = arith.constant 0 : i32
        %dma_start3A_66 = arith.constant 0 : i32
        %dma_start3A_67 = tpu.memref_slice %arg13[%dma_start3A_65, %dma_start3A_66] : memref<10240x128xf32, #tpu.memory_space<vmem_shared>> -> memref<10240x128xf32, #tpu.memory_space<vmem_shared>>
        tpu.enqueue_indirect_dma source(%arg9 : memref<80x128xf32, #tpu.memory_space<vmem>>) target(%dma_start3A_67 : memref<10240x128xf32, #tpu.memory_space<vmem_shared>>) offsets(%dma_start3A_64 : memref<80xi32, #tpu.memory_space<vmem>>) semaphore(%run_scoped3A_61 : memref<!tpu.dma_semaphore, #tpu.memory_space<semaphore_mem>>) {add = true}
        %dma_wait3A_68 = arith.constant 0 : i32
        %dma_wait3A_69 = tpu.memref_slice %arg8[%add3A_28, %dma_wait3A_68] : memref<125x80xi32, #tpu.memory_space<vmem>> -> memref<1x80xi32, #tpu.memory_space<vmem>>
        %dma_wait3A_70 = tpu.memref_squeeze %dma_wait3A_69 : memref<1x80xi32, #tpu.memory_space<vmem>> -> memref<80xi32, #tpu.memory_space<vmem>>
        %dma_wait3A_71 = arith.constant 0 : i32
        %dma_wait3A_72 = arith.constant 0 : i32
        %dma_wait3A_73 = tpu.memref_slice %arg13[%dma_wait3A_71, %dma_wait3A_72] : memref<10240x128xf32, #tpu.memory_space<vmem_shared>> -> memref<10240x128xf32, #tpu.memory_space<vmem_shared>>
        tpu.wait_indirect_dma semaphore(%run_scoped3A_61 : memref<!tpu.dma_semaphore, #tpu.memory_space<semaphore_mem>>) src(%arg9 : memref<80x128xf32, #tpu.memory_space<vmem>>) dst(%dma_wait3A_73 : memref<10240x128xf32, #tpu.memory_space<vmem_shared>>)
        tpu.yield
      }) : () -> ()
      %add3A_43 = arith.constant 2 : i32
      %add3A_44 = arith.addi %add3A_28, %add3A_43 : i32
      %mul3A_45 = arith.constant 80 : i32
      %mul3A_46 = arith.muli %add3A_44, %mul3A_45 : i32
      %dma_start3A_47 = tpu.memref_slice %arg7[%mul3A_46] : memref<10000xi32, #tpu.memory_space<vmem>> -> memref<80xi32, #tpu.memory_space<vmem>>
      %dma_start3A_48 = arith.constant 0 : i32
      %dma_start3A_49 = arith.constant 0 : i32
      %dma_start3A_50 = tpu.memref_slice %arg2[%dma_start3A_48, %dma_start3A_49] : memref<10000x128xf32, #tpu.memory_space<hbm>> -> memref<10000x128xf32, #tpu.memory_space<hbm>>
      tpu.enqueue_indirect_dma source(%dma_start3A_50 : memref<10000x128xf32, #tpu.memory_space<hbm>>) target(%arg9 : memref<80x128xf32, #tpu.memory_space<vmem>>) offsets(%dma_start3A_47 : memref<80xi32, #tpu.memory_space<vmem>>) semaphore(%arg11 : memref<!tpu.dma_semaphore, #tpu.memory_space<semaphore_mem>>)
      %add3A_51 = arith.constant 1 : i32
      %add3A_52 = arith.addi %add3A_28, %add3A_51 : i32
      %mul3A_53 = arith.constant 80 : i32
      %mul3A_54 = arith.muli %add3A_52, %mul3A_53 : i32
      %dma_wait3A_55 = tpu.memref_slice %arg7[%mul3A_54] : memref<10000xi32, #tpu.memory_space<vmem>> -> memref<80xi32, #tpu.memory_space<vmem>>
      %dma_wait3A_56 = arith.constant 0 : i32
      %dma_wait3A_57 = arith.constant 0 : i32
      %dma_wait3A_58 = tpu.memref_slice %arg2[%dma_wait3A_56, %dma_wait3A_57] : memref<10000x128xf32, #tpu.memory_space<hbm>> -> memref<10000x128xf32, #tpu.memory_space<hbm>>
      tpu.wait_indirect_dma semaphore(%arg12 : memref<!tpu.dma_semaphore, #tpu.memory_space<semaphore_mem>>) src(%dma_wait3A_58 : memref<10000x128xf32, #tpu.memory_space<hbm>>) dst(%arg10 : memref<80x128xf32, #tpu.memory_space<vmem>>)
      %add3A_59 = arith.constant 1 : i32
      %add3A_60 = arith.addi %add3A_28, %add3A_59 : i32
      "tpu.region"() ({
        %run_scoped3A_61 = tpu.sem_alloc : memref<!tpu.dma_semaphore, #tpu.memory_space<semaphore_mem>>
        %dma_start3A_62 = arith.constant 0 : i32
        %dma_start3A_63 = tpu.memref_slice %arg8[%add3A_60, %dma_start3A_62] : memref<125x80xi32, #tpu.memory_space<vmem>> -> memref<1x80xi32, #tpu.memory_space<vmem>>
        %dma_start3A_64 = tpu.memref_squeeze %dma_start3A_63 : memref<1x80xi32, #tpu.memory_space<vmem>> -> memref<80xi32, #tpu.memory_space<vmem>>
        %dma_start3A_65 = arith.constant 0 : i32
        %dma_start3A_66 = arith.constant 0 : i32
        %dma_start3A_67 = tpu.memref_slice %arg13[%dma_start3A_65, %dma_start3A_66] : memref<10240x128xf32, #tpu.memory_space<vmem_shared>> -> memref<10240x128xf32, #tpu.memory_space<vmem_shared>>
        tpu.enqueue_indirect_dma source(%arg10 : memref<80x128xf32, #tpu.memory_space<vmem>>) target(%dma_start3A_67 : memref<10240x128xf32, #tpu.memory_space<vmem_shared>>) offsets(%dma_start3A_64 : memref<80xi32, #tpu.memory_space<vmem>>) semaphore(%run_scoped3A_61 : memref<!tpu.dma_semaphore, #tpu.memory_space<semaphore_mem>>) {add = true}
        %dma_wait3A_68 = arith.constant 0 : i32
        %dma_wait3A_69 = tpu.memref_slice %arg8[%add3A_60, %dma_wait3A_68] : memref<125x80xi32, #tpu.memory_space<vmem>> -> memref<1x80xi32, #tpu.memory_space<vmem>>
        %dma_wait3A_70 = tpu.memref_squeeze %dma_wait3A_69 : memref<1x80xi32, #tpu.memory_space<vmem>> -> memref<80xi32, #tpu.memory_space<vmem>>
        %dma_wait3A_71 = arith.constant 0 : i32
        %dma_wait3A_72 = arith.constant 0 : i32
        %dma_wait3A_73 = tpu.memref_slice %arg13[%dma_wait3A_71, %dma_wait3A_72] : memref<10240x128xf32, #tpu.memory_space<vmem_shared>> -> memref<10240x128xf32, #tpu.memory_space<vmem_shared>>
        tpu.wait_indirect_dma semaphore(%run_scoped3A_61 : memref<!tpu.dma_semaphore, #tpu.memory_space<semaphore_mem>>) src(%arg10 : memref<80x128xf32, #tpu.memory_space<vmem>>) dst(%dma_wait3A_73 : memref<10240x128xf32, #tpu.memory_space<vmem_shared>>)
        tpu.yield
      }) : () -> ()
    }
    %scan3A_14 = arith.constant 62 : i32
    %dma_wait3A = arith.constant 9920 : i32
    %dma_wait3A_15 = tpu.memref_slice %arg7[%dma_wait3A] : memref<10000xi32, #tpu.memory_space<vmem>> -> memref<80xi32, #tpu.memory_space<vmem>>
    %dma_wait3A_16 = arith.constant 0 : i32
    %dma_wait3A_17 = arith.constant 0 : i32
    %dma_wait3A_18 = tpu.memref_slice %arg2[%dma_wait3A_16, %dma_wait3A_17] : memref<10000x128xf32, #tpu.memory_space<hbm>> -> memref<10000x128xf32, #tpu.memory_space<hbm>>
    tpu.wait_indirect_dma semaphore(%arg11 : memref<!tpu.dma_semaphore, #tpu.memory_space<semaphore_mem>>) src(%dma_wait3A_18 : memref<10000x128xf32, #tpu.memory_space<hbm>>) dst(%arg9 : memref<80x128xf32, #tpu.memory_space<vmem>>)
    %run_scoped3A = arith.constant 124 : i32
    "tpu.region"() ({
      %run_scoped3A_24 = tpu.sem_alloc : memref<!tpu.dma_semaphore, #tpu.memory_space<semaphore_mem>>
      %dma_start3A_25 = arith.constant 0 : i32
      %dma_start3A_26 = tpu.memref_slice %arg8[%run_scoped3A, %dma_start3A_25] : memref<125x80xi32, #tpu.memory_space<vmem>> -> memref<1x80xi32, #tpu.memory_space<vmem>>
      %dma_start3A_27 = tpu.memref_squeeze %dma_start3A_26 : memref<1x80xi32, #tpu.memory_space<vmem>> -> memref<80xi32, #tpu.memory_space<vmem>>
      %dma_start3A_28 = arith.constant 0 : i32
      %dma_start3A_29 = arith.constant 0 : i32
      %dma_start3A_30 = tpu.memref_slice %arg13[%dma_start3A_28, %dma_start3A_29] : memref<10240x128xf32, #tpu.memory_space<vmem_shared>> -> memref<10240x128xf32, #tpu.memory_space<vmem_shared>>
      tpu.enqueue_indirect_dma source(%arg9 : memref<80x128xf32, #tpu.memory_space<vmem>>) target(%dma_start3A_30 : memref<10240x128xf32, #tpu.memory_space<vmem_shared>>) offsets(%dma_start3A_27 : memref<80xi32, #tpu.memory_space<vmem>>) semaphore(%run_scoped3A_24 : memref<!tpu.dma_semaphore, #tpu.memory_space<semaphore_mem>>) {add = true}
      %dma_wait3A_31 = arith.constant 0 : i32
      %dma_wait3A_32 = tpu.memref_slice %arg8[%run_scoped3A, %dma_wait3A_31] : memref<125x80xi32, #tpu.memory_space<vmem>> -> memref<1x80xi32, #tpu.memory_space<vmem>>
      %dma_wait3A_33 = tpu.memref_squeeze %dma_wait3A_32 : memref<1x80xi32, #tpu.memory_space<vmem>> -> memref<80xi32, #tpu.memory_space<vmem>>
      %dma_wait3A_34 = arith.constant 0 : i32
      %dma_wait3A_35 = arith.constant 0 : i32
      %dma_wait3A_36 = tpu.memref_slice %arg13[%dma_wait3A_34, %dma_wait3A_35] : memref<10240x128xf32, #tpu.memory_space<vmem_shared>> -> memref<10240x128xf32, #tpu.memory_space<vmem_shared>>
      tpu.wait_indirect_dma semaphore(%run_scoped3A_24 : memref<!tpu.dma_semaphore, #tpu.memory_space<semaphore_mem>>) src(%arg9 : memref<80x128xf32, #tpu.memory_space<vmem>>) dst(%dma_wait3A_36 : memref<10240x128xf32, #tpu.memory_space<vmem_shared>>)
      tpu.yield
    }) : () -> ()
    %barrier3A_19 = arith.constant 0 : index
    tpu.barrier barrier_id(%barrier3A_19)
    %mul3A_20 = arith.constant 640 : i32
    %mul3A_21 = arith.muli %arg1, %mul3A_20 : i32
    %mul3A_22 = arith.constant 640 : i32
    %mul3A_23 = arith.muli %arg1, %mul3A_22 : i32
    "tpu.region"() ({
      %run_scoped3A_24 = tpu.sem_alloc : memref<!tpu.dma_semaphore, #tpu.memory_space<semaphore_mem>>
      %dma_start3A_25 = arith.constant 0 : i32
      %dma_start3A_26 = tpu.memref_slice %arg6[%arg0, %mul3A_23, %dma_start3A_25] : memref<2x10240x128xf32, #tpu.memory_space<hbm>> -> memref<1x640x128xf32, #tpu.memory_space<hbm>>
      %dma_start3A_27 = tpu.memref_squeeze %dma_start3A_26 : memref<1x640x128xf32, #tpu.memory_space<hbm>> -> memref<640x128xf32, #tpu.memory_space<hbm>>
      %dma_start3A_28 = arith.constant 0 : i32
      %dma_start3A_29 = tpu.memref_slice %arg13[%mul3A_21, %dma_start3A_28] : memref<10240x128xf32, #tpu.memory_space<vmem_shared>> -> memref<640x128xf32, #tpu.memory_space<vmem_shared>>
      tpu.enqueue_dma source(%dma_start3A_29 : memref<640x128xf32, #tpu.memory_space<vmem_shared>>) target(%dma_start3A_27 : memref<640x128xf32, #tpu.memory_space<hbm>>) target_semaphore(%run_scoped3A_24 : memref<!tpu.dma_semaphore, #tpu.memory_space<semaphore_mem>>)
      %dma_wait3A_30 = arith.constant 0 : i32
      %dma_wait3A_31 = tpu.memref_slice %arg6[%arg0, %mul3A_23, %dma_wait3A_30] : memref<2x10240x128xf32, #tpu.memory_space<hbm>> -> memref<1x640x128xf32, #tpu.memory_space<hbm>>
      %dma_wait3A_32 = tpu.memref_squeeze %dma_wait3A_31 : memref<1x640x128xf32, #tpu.memory_space<hbm>> -> memref<640x128xf32, #tpu.memory_space<hbm>>
      %dma_wait3A_33 = arith.constant 0 : i32
      %dma_wait3A_34 = tpu.memref_slice %arg13[%mul3A_21, %dma_wait3A_33] : memref<10240x128xf32, #tpu.memory_space<vmem_shared>> -> memref<640x128xf32, #tpu.memory_space<vmem_shared>>
      tpu.wait_dma2 semaphore(%run_scoped3A_24 : memref<!tpu.dma_semaphore, #tpu.memory_space<semaphore_mem>>) src(%dma_wait3A_34 : memref<640x128xf32, #tpu.memory_space<vmem_shared>>) dst(%dma_wait3A_32 : memref<640x128xf32, #tpu.memory_space<hbm>>)
      tpu.yield
    }) : () -> ()
    return
  }
}

#map = affine_map<(d0, d1) -> (0, 0, 0)>
#map1 = affine_map<(d0, d1) -> (0, 0)>
module attributes {stable_mosaic.version = 14 : i64} {
  func.func @deg_kernel(%arg0: i32, %arg1: i32, %arg2: memref<32x125x80xi32, #tpu.memory_space<hbm>>, %arg3: memref<80x128xf32, #tpu.memory_space<hbm>>, %arg4: memref<640x128xf32, #tpu.memory_space<hbm>>, %arg5: memref<2x10240x128xf32, #tpu.memory_space<hbm>>, %arg6: memref<125x80xi32, #tpu.memory_space<vmem>>, %arg7: memref<80x128xf32, #tpu.memory_space<vmem>>, %arg8: memref<!tpu.dma_semaphore, #tpu.memory_space<semaphore_mem>>, %arg9: memref<10240x128xf32, #tpu.memory_space<vmem_shared>>) attributes {dimension_semantics = [#tpu.dimension_semantics<core_parallel>, #tpu.dimension_semantics<subcore_parallel>], iteration_bounds = array<i64: 2, 16>, scalar_prefetch = 0 : i64, scratch_operands = 4 : i64, tpu.core_type = #tpu.core_type<sc_vector_subcore>, window_params = [{transform_indices = #map}, {transform_indices = #map1}, {transform_indices = #map1}, {transform_indices = #map}]} {
    %mul3A = arith.constant 16 : i32
    %mul3A_0 = arith.muli %arg0, %mul3A : i32
    %add3A = arith.addi %mul3A_0, %arg1 : i32
    "tpu.region"() ({
      %run_scoped3A = tpu.sem_alloc : memref<!tpu.dma_semaphore, #tpu.memory_space<semaphore_mem>>
      tpu.enqueue_dma source(%arg3 : memref<80x128xf32, #tpu.memory_space<hbm>>) target(%arg7 : memref<80x128xf32, #tpu.memory_space<vmem>>) target_semaphore(%run_scoped3A : memref<!tpu.dma_semaphore, #tpu.memory_space<semaphore_mem>>)
      tpu.wait_dma2 semaphore(%run_scoped3A : memref<!tpu.dma_semaphore, #tpu.memory_space<semaphore_mem>>) src(%arg3 : memref<80x128xf32, #tpu.memory_space<hbm>>) dst(%arg7 : memref<80x128xf32, #tpu.memory_space<vmem>>)
      tpu.yield
    }) : () -> ()
    %mul3A_1 = arith.constant 640 : i32
    %mul3A_2 = arith.muli %arg1, %mul3A_1 : i32
    "tpu.region"() ({
      %run_scoped3A = tpu.sem_alloc : memref<!tpu.dma_semaphore, #tpu.memory_space<semaphore_mem>>
      %dma_start3A = arith.constant 0 : i32
      %dma_start3A_17 = tpu.memref_slice %arg9[%mul3A_2, %dma_start3A] : memref<10240x128xf32, #tpu.memory_space<vmem_shared>> -> memref<640x128xf32, #tpu.memory_space<vmem_shared>>
      tpu.enqueue_dma source(%arg4 : memref<640x128xf32, #tpu.memory_space<hbm>>) target(%dma_start3A_17 : memref<640x128xf32, #tpu.memory_space<vmem_shared>>) target_semaphore(%run_scoped3A : memref<!tpu.dma_semaphore, #tpu.memory_space<semaphore_mem>>)
      %dma_wait3A = arith.constant 0 : i32
      %dma_wait3A_18 = tpu.memref_slice %arg9[%mul3A_2, %dma_wait3A] : memref<10240x128xf32, #tpu.memory_space<vmem_shared>> -> memref<640x128xf32, #tpu.memory_space<vmem_shared>>
      tpu.wait_dma2 semaphore(%run_scoped3A : memref<!tpu.dma_semaphore, #tpu.memory_space<semaphore_mem>>) src(%arg4 : memref<640x128xf32, #tpu.memory_space<hbm>>) dst(%dma_wait3A_18 : memref<640x128xf32, #tpu.memory_space<vmem_shared>>)
      tpu.yield
    }) : () -> ()
    "tpu.region"() ({
      %run_scoped3A = tpu.sem_alloc : memref<!tpu.dma_semaphore, #tpu.memory_space<semaphore_mem>>
      %dma_start3A = arith.constant 0 : i32
      %dma_start3A_17 = arith.constant 0 : i32
      %dma_start3A_18 = tpu.memref_slice %arg2[%add3A, %dma_start3A, %dma_start3A_17] : memref<32x125x80xi32, #tpu.memory_space<hbm>> -> memref<1x125x80xi32, #tpu.memory_space<hbm>>
      %dma_start3A_19 = tpu.memref_squeeze %dma_start3A_18 : memref<1x125x80xi32, #tpu.memory_space<hbm>> -> memref<125x80xi32, #tpu.memory_space<hbm>>
      %dma_start3A_20 = arith.constant 0 : i32
      %dma_start3A_21 = arith.constant 0 : i32
      %dma_start3A_22 = tpu.memref_slice %arg2[%add3A, %dma_start3A_20, %dma_start3A_21] : memref<32x125x80xi32, #tpu.memory_space<hbm>> -> memref<1x125x80xi32, #tpu.memory_space<hbm>>
      %dma_start3A_23 = tpu.memref_squeeze %dma_start3A_22 : memref<1x125x80xi32, #tpu.memory_space<hbm>> -> memref<125x80xi32, #tpu.memory_space<hbm>>
      tpu.enqueue_dma source(%dma_start3A_23 : memref<125x80xi32, #tpu.memory_space<hbm>>) target(%arg6 : memref<125x80xi32, #tpu.memory_space<vmem>>) target_semaphore(%run_scoped3A : memref<!tpu.dma_semaphore, #tpu.memory_space<semaphore_mem>>)
      %dma_wait3A = arith.constant 0 : i32
      %dma_wait3A_24 = arith.constant 0 : i32
      %dma_wait3A_25 = tpu.memref_slice %arg2[%add3A, %dma_wait3A, %dma_wait3A_24] : memref<32x125x80xi32, #tpu.memory_space<hbm>> -> memref<1x125x80xi32, #tpu.memory_space<hbm>>
      %dma_wait3A_26 = tpu.memref_squeeze %dma_wait3A_25 : memref<1x125x80xi32, #tpu.memory_space<hbm>> -> memref<125x80xi32, #tpu.memory_space<hbm>>
      %dma_wait3A_27 = arith.constant 0 : i32
      %dma_wait3A_28 = arith.constant 0 : i32
      %dma_wait3A_29 = tpu.memref_slice %arg2[%add3A, %dma_wait3A_27, %dma_wait3A_28] : memref<32x125x80xi32, #tpu.memory_space<hbm>> -> memref<1x125x80xi32, #tpu.memory_space<hbm>>
      %dma_wait3A_30 = tpu.memref_squeeze %dma_wait3A_29 : memref<1x125x80xi32, #tpu.memory_space<hbm>> -> memref<125x80xi32, #tpu.memory_space<hbm>>
      tpu.wait_dma2 semaphore(%run_scoped3A : memref<!tpu.dma_semaphore, #tpu.memory_space<semaphore_mem>>) src(%dma_wait3A_30 : memref<125x80xi32, #tpu.memory_space<hbm>>) dst(%arg6 : memref<125x80xi32, #tpu.memory_space<vmem>>)
      tpu.yield
    }) : () -> ()
    %barrier3A = arith.constant 0 : index
    tpu.barrier barrier_id(%barrier3A)
    %scan3A = arith.constant 0 : i32
    %scan3A_3 = arith.constant 125 : i32
    %scan3A_4 = arith.addi %scan3A, %scan3A_3 : i32
    %scan3A_5 = arith.constant 1 : i32
    scf.for %scan3A_17 = %scan3A to %scan3A_4 step %scan3A_5  : i32 {
      %mul3A_18 = arith.constant 1 : i32
      %mul3A_19 = arith.muli %scan3A_17, %mul3A_18 : i32
      %add3A_20 = arith.constant 0 : i32
      %add3A_21 = arith.addi %add3A_20, %mul3A_19 : i32
      %dma_start3A = arith.constant 0 : i32
      %dma_start3A_22 = tpu.memref_slice %arg6[%add3A_21, %dma_start3A] : memref<125x80xi32, #tpu.memory_space<vmem>> -> memref<1x80xi32, #tpu.memory_space<vmem>>
      %dma_start3A_23 = tpu.memref_squeeze %dma_start3A_22 : memref<1x80xi32, #tpu.memory_space<vmem>> -> memref<80xi32, #tpu.memory_space<vmem>>
      %dma_start3A_24 = arith.constant 0 : i32
      %dma_start3A_25 = arith.constant 0 : i32
      %dma_start3A_26 = tpu.memref_slice %arg9[%dma_start3A_24, %dma_start3A_25] : memref<10240x128xf32, #tpu.memory_space<vmem_shared>> -> memref<10240x128xf32, #tpu.memory_space<vmem_shared>>
      tpu.enqueue_indirect_dma source(%arg7 : memref<80x128xf32, #tpu.memory_space<vmem>>) target(%dma_start3A_26 : memref<10240x128xf32, #tpu.memory_space<vmem_shared>>) offsets(%dma_start3A_23 : memref<80xi32, #tpu.memory_space<vmem>>) semaphore(%arg8 : memref<!tpu.dma_semaphore, #tpu.memory_space<semaphore_mem>>) {add = true}
      %ge3A = arith.constant 8 : i32
      %ge3A_27 = arith.cmpi sge, %add3A_21, %ge3A : i32
      %convert_element_type3A = arith.extui %ge3A_27 : i1 to i32
      %cond3A = arith.constant 0 : i32
      %cond3A_28 = arith.cmpi ne, %convert_element_type3A, %cond3A : i32
      scf.if %cond3A_28 {
        %sub3A = arith.constant 8 : i32
        %sub3A_29 = arith.subi %add3A_21, %sub3A : i32
        %dma_wait3A = arith.constant 0 : i32
        %dma_wait3A_30 = tpu.memref_slice %arg6[%sub3A_29, %dma_wait3A] : memref<125x80xi32, #tpu.memory_space<vmem>> -> memref<1x80xi32, #tpu.memory_space<vmem>>
        %dma_wait3A_31 = tpu.memref_squeeze %dma_wait3A_30 : memref<1x80xi32, #tpu.memory_space<vmem>> -> memref<80xi32, #tpu.memory_space<vmem>>
        %dma_wait3A_32 = arith.constant 0 : i32
        %dma_wait3A_33 = arith.constant 0 : i32
        %dma_wait3A_34 = tpu.memref_slice %arg9[%dma_wait3A_32, %dma_wait3A_33] : memref<10240x128xf32, #tpu.memory_space<vmem_shared>> -> memref<10240x128xf32, #tpu.memory_space<vmem_shared>>
        tpu.wait_indirect_dma semaphore(%arg8 : memref<!tpu.dma_semaphore, #tpu.memory_space<semaphore_mem>>) src(%arg7 : memref<80x128xf32, #tpu.memory_space<vmem>>) dst(%dma_wait3A_34 : memref<10240x128xf32, #tpu.memory_space<vmem_shared>>)
      } else {
      }
    }
    %scan3A_6 = arith.constant 125 : i32
    %scan3A_7 = arith.constant 0 : i32
    %scan3A_8 = arith.constant 8 : i32
    %scan3A_9 = arith.addi %scan3A_7, %scan3A_8 : i32
    %scan3A_10 = arith.constant 1 : i32
    scf.for %scan3A_17 = %scan3A_7 to %scan3A_9 step %scan3A_10  : i32 {
      %mul3A_18 = arith.constant 1 : i32
      %mul3A_19 = arith.muli %scan3A_17, %mul3A_18 : i32
      %add3A_20 = arith.constant 117 : i32
      %add3A_21 = arith.addi %add3A_20, %mul3A_19 : i32
      %dma_wait3A = arith.constant 0 : i32
      %dma_wait3A_22 = tpu.memref_slice %arg6[%add3A_21, %dma_wait3A] : memref<125x80xi32, #tpu.memory_space<vmem>> -> memref<1x80xi32, #tpu.memory_space<vmem>>
      %dma_wait3A_23 = tpu.memref_squeeze %dma_wait3A_22 : memref<1x80xi32, #tpu.memory_space<vmem>> -> memref<80xi32, #tpu.memory_space<vmem>>
      %dma_wait3A_24 = arith.constant 0 : i32
      %dma_wait3A_25 = arith.constant 0 : i32
      %dma_wait3A_26 = tpu.memref_slice %arg9[%dma_wait3A_24, %dma_wait3A_25] : memref<10240x128xf32, #tpu.memory_space<vmem_shared>> -> memref<10240x128xf32, #tpu.memory_space<vmem_shared>>
      tpu.wait_indirect_dma semaphore(%arg8 : memref<!tpu.dma_semaphore, #tpu.memory_space<semaphore_mem>>) src(%arg7 : memref<80x128xf32, #tpu.memory_space<vmem>>) dst(%dma_wait3A_26 : memref<10240x128xf32, #tpu.memory_space<vmem_shared>>)
    }
    %scan3A_11 = arith.constant 8 : i32
    %barrier3A_12 = arith.constant 0 : index
    tpu.barrier barrier_id(%barrier3A_12)
    %mul3A_13 = arith.constant 640 : i32
    %mul3A_14 = arith.muli %arg1, %mul3A_13 : i32
    %mul3A_15 = arith.constant 640 : i32
    %mul3A_16 = arith.muli %arg1, %mul3A_15 : i32
    "tpu.region"() ({
      %run_scoped3A = tpu.sem_alloc : memref<!tpu.dma_semaphore, #tpu.memory_space<semaphore_mem>>
      %dma_start3A = arith.constant 0 : i32
      %dma_start3A_17 = tpu.memref_slice %arg5[%arg0, %mul3A_16, %dma_start3A] : memref<2x10240x128xf32, #tpu.memory_space<hbm>> -> memref<1x640x128xf32, #tpu.memory_space<hbm>>
      %dma_start3A_18 = tpu.memref_squeeze %dma_start3A_17 : memref<1x640x128xf32, #tpu.memory_space<hbm>> -> memref<640x128xf32, #tpu.memory_space<hbm>>
      %dma_start3A_19 = arith.constant 0 : i32
      %dma_start3A_20 = tpu.memref_slice %arg9[%mul3A_14, %dma_start3A_19] : memref<10240x128xf32, #tpu.memory_space<vmem_shared>> -> memref<640x128xf32, #tpu.memory_space<vmem_shared>>
      tpu.enqueue_dma source(%dma_start3A_20 : memref<640x128xf32, #tpu.memory_space<vmem_shared>>) target(%dma_start3A_18 : memref<640x128xf32, #tpu.memory_space<hbm>>) target_semaphore(%run_scoped3A : memref<!tpu.dma_semaphore, #tpu.memory_space<semaphore_mem>>)
      %dma_wait3A = arith.constant 0 : i32
      %dma_wait3A_21 = tpu.memref_slice %arg5[%arg0, %mul3A_16, %dma_wait3A] : memref<2x10240x128xf32, #tpu.memory_space<hbm>> -> memref<1x640x128xf32, #tpu.memory_space<hbm>>
      %dma_wait3A_22 = tpu.memref_squeeze %dma_wait3A_21 : memref<1x640x128xf32, #tpu.memory_space<hbm>> -> memref<640x128xf32, #tpu.memory_space<hbm>>
      %dma_wait3A_23 = arith.constant 0 : i32
      %dma_wait3A_24 = tpu.memref_slice %arg9[%mul3A_14, %dma_wait3A_23] : memref<10240x128xf32, #tpu.memory_space<vmem_shared>> -> memref<640x128xf32, #tpu.memory_space<vmem_shared>>
      tpu.wait_dma2 semaphore(%run_scoped3A : memref<!tpu.dma_semaphore, #tpu.memory_space<semaphore_mem>>) src(%dma_wait3A_24 : memref<640x128xf32, #tpu.memory_space<vmem_shared>>) dst(%dma_wait3A_22 : memref<640x128xf32, #tpu.memory_space<hbm>>)
      tpu.yield
    }) : () -> ()
    return
  }
}

module attributes {stable_mosaic.version = 14 : i64} {
  func.func @_mm_prep_body(%arg0: i32, %arg1: memref<1000x128xf32, #tpu.memory_space<vmem>>, %arg2: memref<1000x128xf32, #tpu.memory_space<vmem>>, %arg3: memref<1000x128xf32, #tpu.memory_space<vmem>>, %arg4: memref<128x128xf32, #tpu.memory_space<vmem>>, %arg5: memref<1000x128xf32, #tpu.memory_space<vmem>>, %arg6: memref<1000x128xf32, #tpu.memory_space<vmem>>) attributes {dimension_semantics = [#tpu.dimension_semantics<arbitrary>], iteration_bounds = array<i64: 10>, scalar_prefetch = 0 : i64, scratch_operands = 0 : i64, tpu.core_type = #tpu.core_type<tc>, window_params = [{transform_indices = @transform_0, window_bounds = array<i64: 1000, 128>}, {transform_indices = @transform_1, window_bounds = array<i64: 1000, 128>}, {transform_indices = @transform_2, window_bounds = array<i64: 1000, 128>}, {pipeline_mode = #tpu.pipeline_mode<synchronous>, transform_indices = @transform_3, window_bounds = array<i64: 128, 128>}, {transform_indices = @transform_4, window_bounds = array<i64: 1000, 128>}, {transform_indices = @transform_5, window_bounds = array<i64: 1000, 128>}]} {
    %get3A = arith.constant 0 : index
    %get3A_0 = arith.constant 0 : index
    %get3A_1 = vector.load %arg1[%get3A, %get3A_0] : memref<1000x128xf32, #tpu.memory_space<vmem>>, vector<1000x1xf32>
    %get3A_2 = arith.constant 0 : index
    %get3A_3 = arith.constant 0 : index
    %get3A_4 = vector.load %arg2[%get3A_2, %get3A_3] : memref<1000x128xf32, #tpu.memory_space<vmem>>, vector<1000x1xf32>
    %add3A = arith.addf %get3A_1, %get3A_4 : vector<1000x1xf32>
    %add3A_5 = arith.constant 1.000000e+00 : f32
    %add3A_6 = vector.broadcast %add3A_5 : f32 to vector<1000x1xf32>
    %add3A_7 = arith.addf %add3A, %add3A_6 : vector<1000x1xf32>
    %rsqrt3A = math.rsqrt %add3A_7 : vector<1000x1xf32>
    %broadcast_in_dim3A = vector.shape_cast %rsqrt3A : vector<1000x1xf32> to vector<1000x1xf32>
    %broadcast_in_dim3A_8 = vector.broadcast %broadcast_in_dim3A : vector<1000x1xf32> to vector<1000x128xf32>
    %swap3A = arith.constant 0 : index
    %swap3A_9 = arith.constant 0 : index
    %swap3A_10 = vector.load %arg6[%swap3A, %swap3A_9] : memref<1000x128xf32, #tpu.memory_space<vmem>>, vector<1000x128xf32>
    tpu.vector_store %arg6[%swap3A, %swap3A_9], %broadcast_in_dim3A_8 {strides = array<i32>} : memref<1000x128xf32, #tpu.memory_space<vmem>>, vector<1000x128xf32>,
    %get3A_11 = arith.constant 0 : index
    %get3A_12 = arith.constant 0 : index
    %get3A_13 = vector.load %arg3[%get3A_11, %get3A_12] : memref<1000x128xf32, #tpu.memory_space<vmem>>, vector<1000x128xf32>
    %get3A_14 = arith.constant 0 : index
    %get3A_15 = arith.constant 0 : index
    %get3A_16 = vector.load %arg4[%get3A_14, %get3A_15] : memref<128x128xf32, #tpu.memory_space<vmem>>, vector<128x128xf32>
    %dot_general3A = arith.constant dense<0.000000e+00> : vector<1000x128xf32>
    %dot_general3A_17 = tpu.matmul %get3A_13, %get3A_16, %dot_general3A {dimension_numbers = #tpu.dot_dimension_numbers<[1], [0], [0], [1], [0, 0, 1, 1], [], []>, transpose_lhs_hint = false} : vector<1000x128xf32>, vector<128x128xf32>, vector<1000x128xf32> -> vector<1000x128xf32>
    %mul3A = arith.mulf %dot_general3A_17, %broadcast_in_dim3A_8 : vector<1000x128xf32>
    %swap3A_18 = arith.constant 0 : index
    %swap3A_19 = arith.constant 0 : index
    %swap3A_20 = vector.load %arg5[%swap3A_18, %swap3A_19] : memref<1000x128xf32, #tpu.memory_space<vmem>>, vector<1000x128xf32>
    tpu.vector_store %arg5[%swap3A_18, %swap3A_19], %mul3A {strides = array<i32>} : memref<1000x128xf32, #tpu.memory_space<vmem>>, vector<1000x128xf32>,
    return
  }
  func.func @transform_0(%arg0: i32) -> (i32, i32) {
    %c0_i32 = arith.constant 0 : i32
    %c0_i32_0 = arith.constant 0 : i32
    return %arg0, %c0_i32 : i32, i32
  }
  func.func @transform_1(%arg0: i32) -> (i32, i32) {
    %c0_i32 = arith.constant 0 : i32
    %c0_i32_0 = arith.constant 0 : i32
    return %arg0, %c0_i32 : i32, i32
  }
  func.func @transform_2(%arg0: i32) -> (i32, i32) {
    %c0_i32 = arith.constant 0 : i32
    %c0_i32_0 = arith.constant 0 : i32
    return %arg0, %c0_i32 : i32, i32
  }
  func.func @transform_3(%arg0: i32) -> (i32, i32) {
    %c0_i32 = arith.constant 0 : i32
    %c0_i32_0 = arith.constant 0 : i32
    %c0_i32_1 = arith.constant 0 : i32
    return %c0_i32, %c0_i32_0 : i32, i32
  }
  func.func @transform_4(%arg0: i32) -> (i32, i32) {
    %c0_i32 = arith.constant 0 : i32
    %c0_i32_0 = arith.constant 0 : i32
    return %arg0, %c0_i32 : i32, i32
  }
  func.func @transform_5(%arg0: i32) -> (i32, i32) {
    %c0_i32 = arith.constant 0 : i32
    %c0_i32_0 = arith.constant 0 : i32
    return %arg0, %c0_i32 : i32, i32
  }
}

module attributes {stable_mosaic.version = 14 : i64} {
  func.func @_epi_mm_body(%arg0: i32, %arg1: memref<1000x128xf32, #tpu.memory_space<vmem>>, %arg2: memref<1000x128xf32, #tpu.memory_space<vmem>>, %arg3: memref<1000x128xf32, #tpu.memory_space<vmem>>, %arg4: memref<1000x128xf32, #tpu.memory_space<vmem>>, %arg5: memref<1x128xf32, #tpu.memory_space<vmem>>, %arg6: memref<1000x128xf32, #tpu.memory_space<vmem>>, %arg7: memref<128x128xf32, #tpu.memory_space<vmem>>, %arg8: memref<1000x128xf32, #tpu.memory_space<vmem>>, %arg9: memref<1000x128xf32, #tpu.memory_space<vmem>>) attributes {dimension_semantics = [#tpu.dimension_semantics<arbitrary>], iteration_bounds = array<i64: 10>, scalar_prefetch = 0 : i64, scratch_operands = 0 : i64, tpu.core_type = #tpu.core_type<tc>, window_params = [{transform_indices = @transform_0, window_bounds = array<i64: 1000, 128>}, {transform_indices = @transform_1, window_bounds = array<i64: 1000, 128>}, {transform_indices = @transform_2, window_bounds = array<i64: 1000, 128>}, {transform_indices = @transform_3, window_bounds = array<i64: 1000, 128>}, {pipeline_mode = #tpu.pipeline_mode<synchronous>, transform_indices = @transform_4, window_bounds = array<i64: 1, 128>}, {transform_indices = @transform_5, window_bounds = array<i64: 1000, 128>}, {pipeline_mode = #tpu.pipeline_mode<synchronous>, transform_indices = @transform_6, window_bounds = array<i64: 128, 128>}, {transform_indices = @transform_7, window_bounds = array<i64: 1000, 128>}, {transform_indices = @transform_8, window_bounds = array<i64: 1000, 128>}]} {
    %get3A = arith.constant 0 : index
    %get3A_0 = arith.constant 0 : index
    %get3A_1 = vector.load %arg1[%get3A, %get3A_0] : memref<1000x128xf32, #tpu.memory_space<vmem>>, vector<1000x128xf32>
    %get3A_2 = arith.constant 0 : index
    %get3A_3 = arith.constant 0 : index
    %get3A_4 = vector.load %arg2[%get3A_2, %get3A_3] : memref<1000x128xf32, #tpu.memory_space<vmem>>, vector<1000x128xf32>
    %get3A_5 = arith.constant 0 : index
    %get3A_6 = arith.constant 0 : index
    %get3A_7 = vector.load %arg3[%get3A_5, %get3A_6] : memref<1000x128xf32, #tpu.memory_space<vmem>>, vector<1000x128xf32>
    %get3A_8 = arith.constant 0 : index
    %get3A_9 = arith.constant 0 : index
    %get3A_10 = vector.load %arg4[%get3A_8, %get3A_9] : memref<1000x128xf32, #tpu.memory_space<vmem>>, vector<1000x128xf32>
    %get3A_11 = arith.constant 0 : index
    %get3A_12 = arith.constant 0 : index
    %get3A_13 = vector.load %arg5[%get3A_11, %get3A_12] : memref<1x128xf32, #tpu.memory_space<vmem>>, vector<1x128xf32>
    %get3A_14 = arith.constant 0 : index
    %get3A_15 = arith.constant 0 : index
    %get3A_16 = vector.load %arg6[%get3A_14, %get3A_15] : memref<1000x128xf32, #tpu.memory_space<vmem>>, vector<1000x128xf32>
    %add3A = arith.addf %get3A_1, %get3A_4 : vector<1000x128xf32>
    %add3A_17 = arith.addf %add3A, %get3A_7 : vector<1000x128xf32>
    %mul3A = arith.mulf %get3A_10, %add3A_17 : vector<1000x128xf32>
    %add3A_18 = vector.broadcast %get3A_13 : vector<1x128xf32> to vector<1000x128xf32>
    %add3A_19 = arith.addf %mul3A, %add3A_18 : vector<1000x128xf32>
    %max3A = arith.constant 0.000000e+00 : f32
    %max3A_20 = vector.broadcast %max3A : f32 to vector<1000x128xf32>
    %max3A_21 = arith.maximumf %add3A_19, %max3A_20 : vector<1000x128xf32>
    %reduce_sum3A = arith.constant dense<0.000000e+00> : vector<1000xf32>
    %reduce_sum3A_22 = vector.multi_reduction <add>, %max3A_21, %reduce_sum3A [1] : vector<1000x128xf32> to vector<1000xf32>
    %broadcast_in_dim3A = vector.shape_cast %reduce_sum3A_22 : vector<1000xf32> to vector<1000x1xf32>
    %div3A = arith.constant 1.280000e+02 : f32
    %div3A_23 = vector.broadcast %div3A : f32 to vector<1000x1xf32>
    %div3A_24 = arith.divf %broadcast_in_dim3A, %div3A_23 : vector<1000x1xf32>
    %sub3A = vector.broadcast %div3A_24 : vector<1000x1xf32> to vector<1000x128xf32>
    %sub3A_25 = arith.subf %max3A_21, %sub3A : vector<1000x128xf32>
    %integer_pow3A = arith.mulf %sub3A_25, %sub3A_25 : vector<1000x128xf32>
    %reduce_sum3A_26 = arith.constant dense<0.000000e+00> : vector<1000xf32>
    %reduce_sum3A_27 = vector.multi_reduction <add>, %integer_pow3A, %reduce_sum3A_26 [1] : vector<1000x128xf32> to vector<1000xf32>
    %broadcast_in_dim3A_28 = vector.shape_cast %reduce_sum3A_27 : vector<1000xf32> to vector<1000x1xf32>
    %div3A_29 = arith.constant 1.280000e+02 : f32
    %div3A_30 = vector.broadcast %div3A_29 : f32 to vector<1000x1xf32>
    %div3A_31 = arith.divf %broadcast_in_dim3A_28, %div3A_30 : vector<1000x1xf32>
    %sub3A_32 = vector.broadcast %div3A_24 : vector<1000x1xf32> to vector<1000x128xf32>
    %sub3A_33 = arith.subf %max3A_21, %sub3A_32 : vector<1000x128xf32>
    %add3A_34 = arith.constant 9.99999974E-6 : f32
    %add3A_35 = vector.broadcast %add3A_34 : f32 to vector<1000x1xf32>
    %add3A_36 = arith.addf %div3A_31, %add3A_35 : vector<1000x1xf32>
    %rsqrt3A = math.rsqrt %add3A_36 : vector<1000x1xf32>
    %mul3A_37 = vector.broadcast %rsqrt3A : vector<1000x1xf32> to vector<1000x128xf32>
    %mul3A_38 = arith.mulf %sub3A_33, %mul3A_37 : vector<1000x128xf32>
    %add3A_39 = arith.addf %mul3A_38, %get3A_16 : vector<1000x128xf32>
    %swap3A = arith.constant 0 : index
    %swap3A_40 = arith.constant 0 : index
    %swap3A_41 = vector.load %arg8[%swap3A, %swap3A_40] : memref<1000x128xf32, #tpu.memory_space<vmem>>, vector<1000x128xf32>
    tpu.vector_store %arg8[%swap3A, %swap3A_40], %add3A_39 {strides = array<i32>} : memref<1000x128xf32, #tpu.memory_space<vmem>>, vector<1000x128xf32>,
    %get3A_42 = arith.constant 0 : index
    %get3A_43 = arith.constant 0 : index
    %get3A_44 = vector.load %arg7[%get3A_42, %get3A_43] : memref<128x128xf32, #tpu.memory_space<vmem>>, vector<128x128xf32>
    %dot_general3A = arith.constant dense<0.000000e+00> : vector<1000x128xf32>
    %dot_general3A_45 = tpu.matmul %add3A_39, %get3A_44, %dot_general3A {dimension_numbers = #tpu.dot_dimension_numbers<[1], [0], [0], [1], [0, 0, 1, 1], [], []>, transpose_lhs_hint = false} : vector<1000x128xf32>, vector<128x128xf32>, vector<1000x128xf32> -> vector<1000x128xf32>
    %get3A_46 = arith.constant 0 : index
    %get3A_47 = arith.constant 0 : index
    %get3A_48 = vector.load %arg4[%get3A_46, %get3A_47] : memref<1000x128xf32, #tpu.memory_space<vmem>>, vector<1000x128xf32>
    %mul3A_49 = arith.mulf %dot_general3A_45, %get3A_48 : vector<1000x128xf32>
    %swap3A_50 = arith.constant 0 : index
    %swap3A_51 = arith.constant 0 : index
    %swap3A_52 = vector.load %arg9[%swap3A_50, %swap3A_51] : memref<1000x128xf32, #tpu.memory_space<vmem>>, vector<1000x128xf32>
    tpu.vector_store %arg9[%swap3A_50, %swap3A_51], %mul3A_49 {strides = array<i32>} : memref<1000x128xf32, #tpu.memory_space<vmem>>, vector<1000x128xf32>,
    return
  }
  func.func @transform_0(%arg0: i32) -> (i32, i32) {
    %c0_i32 = arith.constant 0 : i32
    %c0_i32_0 = arith.constant 0 : i32
    return %arg0, %c0_i32 : i32, i32
  }
  func.func @transform_1(%arg0: i32) -> (i32, i32) {
    %c0_i32 = arith.constant 0 : i32
    %c0_i32_0 = arith.constant 0 : i32
    return %arg0, %c0_i32 : i32, i32
  }
  func.func @transform_2(%arg0: i32) -> (i32, i32) {
    %c0_i32 = arith.constant 0 : i32
    %c0_i32_0 = arith.constant 0 : i32
    return %arg0, %c0_i32 : i32, i32
  }
  func.func @transform_3(%arg0: i32) -> (i32, i32) {
    %c0_i32 = arith.constant 0 : i32
    %c0_i32_0 = arith.constant 0 : i32
    return %arg0, %c0_i32 : i32, i32
  }
  func.func @transform_4(%arg0: i32) -> (i32, i32) {
    %c0_i32 = arith.constant 0 : i32
    %c0_i32_0 = arith.constant 0 : i32
    %c0_i32_1 = arith.constant 0 : i32
    return %c0_i32, %c0_i32_0 : i32, i32
  }
  func.func @transform_5(%arg0: i32) -> (i32, i32) {
    %c0_i32 = arith.constant 0 : i32
    %c0_i32_0 = arith.constant 0 : i32
    return %arg0, %c0_i32 : i32, i32
  }
  func.func @transform_6(%arg0: i32) -> (i32, i32) {
    %c0_i32 = arith.constant 0 : i32
    %c0_i32_0 = arith.constant 0 : i32
    %c0_i32_1 = arith.constant 0 : i32
    return %c0_i32, %c0_i32_0 : i32, i32
  }
  func.func @transform_7(%arg0: i32) -> (i32, i32) {
    %c0_i32 = arith.constant 0 : i32
    %c0_i32_0 = arith.constant 0 : i32
    return %arg0, %c0_i32 : i32, i32
  }
  func.func @transform_8(%arg0: i32) -> (i32, i32) {
    %c0_i32 = arith.constant 0 : i32
    %c0_i32_0 = arith.constant 0 : i32
    return %arg0, %c0_i32 : i32, i32
  }
}

module attributes {stable_mosaic.version = 14 : i64} {
  func.func @_epi_body(%arg0: i32, %arg1: memref<1000x128xf32, #tpu.memory_space<vmem>>, %arg2: memref<1000x128xf32, #tpu.memory_space<vmem>>, %arg3: memref<1000x128xf32, #tpu.memory_space<vmem>>, %arg4: memref<1000x128xf32, #tpu.memory_space<vmem>>, %arg5: memref<1x128xf32, #tpu.memory_space<vmem>>, %arg6: memref<1000x128xf32, #tpu.memory_space<vmem>>, %arg7: memref<1000x128xf32, #tpu.memory_space<vmem>>) attributes {dimension_semantics = [#tpu.dimension_semantics<arbitrary>], iteration_bounds = array<i64: 10>, scalar_prefetch = 0 : i64, scratch_operands = 0 : i64, tpu.core_type = #tpu.core_type<tc>, window_params = [{transform_indices = @transform_0, window_bounds = array<i64: 1000, 128>}, {transform_indices = @transform_1, window_bounds = array<i64: 1000, 128>}, {transform_indices = @transform_2, window_bounds = array<i64: 1000, 128>}, {transform_indices = @transform_3, window_bounds = array<i64: 1000, 128>}, {pipeline_mode = #tpu.pipeline_mode<synchronous>, transform_indices = @transform_4, window_bounds = array<i64: 1, 128>}, {transform_indices = @transform_5, window_bounds = array<i64: 1000, 128>}, {transform_indices = @transform_6, window_bounds = array<i64: 1000, 128>}]} {
    %get3A = arith.constant 0 : index
    %get3A_0 = arith.constant 0 : index
    %get3A_1 = vector.load %arg1[%get3A, %get3A_0] : memref<1000x128xf32, #tpu.memory_space<vmem>>, vector<1000x128xf32>
    %get3A_2 = arith.constant 0 : index
    %get3A_3 = arith.constant 0 : index
    %get3A_4 = vector.load %arg2[%get3A_2, %get3A_3] : memref<1000x128xf32, #tpu.memory_space<vmem>>, vector<1000x128xf32>
    %get3A_5 = arith.constant 0 : index
    %get3A_6 = arith.constant 0 : index
    %get3A_7 = vector.load %arg3[%get3A_5, %get3A_6] : memref<1000x128xf32, #tpu.memory_space<vmem>>, vector<1000x128xf32>
    %get3A_8 = arith.constant 0 : index
    %get3A_9 = arith.constant 0 : index
    %get3A_10 = vector.load %arg4[%get3A_8, %get3A_9] : memref<1000x128xf32, #tpu.memory_space<vmem>>, vector<1000x128xf32>
    %get3A_11 = arith.constant 0 : index
    %get3A_12 = arith.constant 0 : index
    %get3A_13 = vector.load %arg5[%get3A_11, %get3A_12] : memref<1x128xf32, #tpu.memory_space<vmem>>, vector<1x128xf32>
    %get3A_14 = arith.constant 0 : index
    %get3A_15 = arith.constant 0 : index
    %get3A_16 = vector.load %arg6[%get3A_14, %get3A_15] : memref<1000x128xf32, #tpu.memory_space<vmem>>, vector<1000x128xf32>
    %add3A = arith.addf %get3A_1, %get3A_4 : vector<1000x128xf32>
    %add3A_17 = arith.addf %add3A, %get3A_7 : vector<1000x128xf32>
    %mul3A = arith.mulf %get3A_10, %add3A_17 : vector<1000x128xf32>
    %add3A_18 = vector.broadcast %get3A_13 : vector<1x128xf32> to vector<1000x128xf32>
    %add3A_19 = arith.addf %mul3A, %add3A_18 : vector<1000x128xf32>
    %max3A = arith.constant 0.000000e+00 : f32
    %max3A_20 = vector.broadcast %max3A : f32 to vector<1000x128xf32>
    %max3A_21 = arith.maximumf %add3A_19, %max3A_20 : vector<1000x128xf32>
    %reduce_sum3A = arith.constant dense<0.000000e+00> : vector<1000xf32>
    %reduce_sum3A_22 = vector.multi_reduction <add>, %max3A_21, %reduce_sum3A [1] : vector<1000x128xf32> to vector<1000xf32>
    %broadcast_in_dim3A = vector.shape_cast %reduce_sum3A_22 : vector<1000xf32> to vector<1000x1xf32>
    %div3A = arith.constant 1.280000e+02 : f32
    %div3A_23 = vector.broadcast %div3A : f32 to vector<1000x1xf32>
    %div3A_24 = arith.divf %broadcast_in_dim3A, %div3A_23 : vector<1000x1xf32>
    %sub3A = vector.broadcast %div3A_24 : vector<1000x1xf32> to vector<1000x128xf32>
    %sub3A_25 = arith.subf %max3A_21, %sub3A : vector<1000x128xf32>
    %integer_pow3A = arith.mulf %sub3A_25, %sub3A_25 : vector<1000x128xf32>
    %reduce_sum3A_26 = arith.constant dense<0.000000e+00> : vector<1000xf32>
    %reduce_sum3A_27 = vector.multi_reduction <add>, %integer_pow3A, %reduce_sum3A_26 [1] : vector<1000x128xf32> to vector<1000xf32>
    %broadcast_in_dim3A_28 = vector.shape_cast %reduce_sum3A_27 : vector<1000xf32> to vector<1000x1xf32>
    %div3A_29 = arith.constant 1.280000e+02 : f32
    %div3A_30 = vector.broadcast %div3A_29 : f32 to vector<1000x1xf32>
    %div3A_31 = arith.divf %broadcast_in_dim3A_28, %div3A_30 : vector<1000x1xf32>
    %sub3A_32 = vector.broadcast %div3A_24 : vector<1000x1xf32> to vector<1000x128xf32>
    %sub3A_33 = arith.subf %max3A_21, %sub3A_32 : vector<1000x128xf32>
    %add3A_34 = arith.constant 9.99999974E-6 : f32
    %add3A_35 = vector.broadcast %add3A_34 : f32 to vector<1000x1xf32>
    %add3A_36 = arith.addf %div3A_31, %add3A_35 : vector<1000x1xf32>
    %rsqrt3A = math.rsqrt %add3A_36 : vector<1000x1xf32>
    %mul3A_37 = vector.broadcast %rsqrt3A : vector<1000x1xf32> to vector<1000x128xf32>
    %mul3A_38 = arith.mulf %sub3A_33, %mul3A_37 : vector<1000x128xf32>
    %add3A_39 = arith.addf %mul3A_38, %get3A_16 : vector<1000x128xf32>
    %swap3A = arith.constant 0 : index
    %swap3A_40 = arith.constant 0 : index
    %swap3A_41 = vector.load %arg7[%swap3A, %swap3A_40] : memref<1000x128xf32, #tpu.memory_space<vmem>>, vector<1000x128xf32>
    tpu.vector_store %arg7[%swap3A, %swap3A_40], %add3A_39 {strides = array<i32>} : memref<1000x128xf32, #tpu.memory_space<vmem>>, vector<1000x128xf32>,
    return
  }
  func.func @transform_0(%arg0: i32) -> (i32, i32) {
    %c0_i32 = arith.constant 0 : i32
    %c0_i32_0 = arith.constant 0 : i32
    return %arg0, %c0_i32 : i32, i32
  }
  func.func @transform_1(%arg0: i32) -> (i32, i32) {
    %c0_i32 = arith.constant 0 : i32
    %c0_i32_0 = arith.constant 0 : i32
    return %arg0, %c0_i32 : i32, i32
  }
  func.func @transform_2(%arg0: i32) -> (i32, i32) {
    %c0_i32 = arith.constant 0 : i32
    %c0_i32_0 = arith.constant 0 : i32
    return %arg0, %c0_i32 : i32, i32
  }
  func.func @transform_3(%arg0: i32) -> (i32, i32) {
    %c0_i32 = arith.constant 0 : i32
    %c0_i32_0 = arith.constant 0 : i32
    return %arg0, %c0_i32 : i32, i32
  }
  func.func @transform_4(%arg0: i32) -> (i32, i32) {
    %c0_i32 = arith.constant 0 : i32
    %c0_i32_0 = arith.constant 0 : i32
    %c0_i32_1 = arith.constant 0 : i32
    return %c0_i32, %c0_i32_0 : i32, i32
  }
  func.func @transform_5(%arg0: i32) -> (i32, i32) {
    %c0_i32 = arith.constant 0 : i32
    %c0_i32_0 = arith.constant 0 : i32
    return %arg0, %c0_i32 : i32, i32
  }
  func.func @transform_6(%arg0: i32) -> (i32, i32) {
    %c0_i32 = arith.constant 0 : i32
    %c0_i32_0 = arith.constant 0 : i32
    return %arg0, %c0_i32 : i32, i32
  }
}

</mosaic_0001>

<sc_bundles>
// kernel: kernel.10.cloned.1.call-start
scs
__scs_entry_jumppad:
0x0: {  	(pc) =	sbr.rel $0x88, $3  }
0x1: {  	(tag) =	ssettag $0x0;
	lr =	simm.s32 $0x1  }
0x2: {  	[smem:$0x3F99] =	sst lr;
	_ =	strace $0xD0000000  }
0x3: {  	_ = 	snop  }
0x4: {  	_ = 	snop  }
0x5: {  	_ = 	snop  }
0x6: {  	_ = 	snop  }
0x7: {  	_ = 	snop  }
__scs_overlays_trampoline_lowered:
0x8: {  	[smem:$0x3FA8] =	sst s0  }
0x9: {  	[smem:$0x3FA9] =	sst s1  }
0xa: {  	[smem:$0x3FAA] =	sst s2  }
0xb: {  	[smem:$0x3FAB] =	sst s3  }
0xc: {  	[smem:$0x3FAC] =	sst s4  }
0xd: {  	[smem:$0x3FAD] =	sst s5  }
0xe: {  	[smem:$0x3FAE] =	sst s6  }
0xf: {  	[smem:$0x3FAF] =	sst s7  }
0x10: {  	[smem:$0x3FB0] =	sst s8  }
0x11: {  	[smem:$0x3FB1] =	sst s9;
	s0 =	simm.s32 @!p0 $0x0  }
0x12: {  	s1 =	sld [smem:$0x3F97];
	s0 =	simm.s32 @p0 $0x1  }
0x13: {  	[smem:$0x3FB2] =	sst s0;
	s0 =	simm.s32 @!p1 $0x0  }
0x14: {  	s2 =	sld [smem:$0x3F96];
	s0 =	simm.s32 @p1 $0x1  }
0x15: {  	[smem:$0x3FB3] =	sst s0;
	s0 =	simm.s32 @!p2 $0x0  }
0x16: {  	s3 =	sld [smem:$0x3FDB];
	s0 =	simm.s32 @p2 $0x1  }
0x17: {  	s4 =	simm.s32 $0x1BF5;
	[smem:$0x3FB5] =	sst s0  }
0x18: {  	s0 =	sld [smem:$0x3F98];
	_ =	swait.ge [sflag:s4], $0x0  }
0x19: {  	s7 =	sld [smem:$0x3F99]  }
0x1a: {  	s8 =	sadd.s32 $0xFFFFE003, lr  }
0x1b: {  	s9 =	sadd.s32 $0xFFFFFEF7, lr;
	s5 =	simm.s32 $0xFFFFFFFF;
	p2 =	slt.u32 s8, $0xFFFFF086  }
0x1c: {  	p1 =	slt.u32 s9, $0xF7A;
	s5 =	simm.s32 @!p2 $0x0  }
0x1d: {  	s5 =	simm.s32 @p1 $0x1;
	p0 =	seq.s32 s7, s2  }
0x1e: {  	s7 =	smul.u32 @!p0 $0xF7A, s2;
	p2 =	seq.s32 @!p0 s5, $0x0  }
0x1f: {  	s9 =	smul.u32 $0xF7A, s1;
	s8 =	simm.s32 @!p0 $0x1BF5;
	p2 =	por !p2, p0  }
0x20: {  	[sflag:s8] =	ssyncset.s32 @!p0 $0xFFFFF086;
	s6 =	sadd.s32 @!p0 s3, s7;
	s7 =	simm.s32 @!p0 $0x108  }
0x21: {  	s3 =	sadd.s32 s3, s9;
	s6 =	sadd.s32 @!p0 $0x88, s6;
	s7 =	simm.s32 @p2 $0x1082  }
0x22: {  	[simem:s7], [sflag:s8] =	dma.local @!p0 [hbm:s6], $0xF7A  }
0x23: {  	s9 =	sor.u32 $0xD0000000, s2;
	s6 =	simm.s32 $0x108;
	_ =	swait.ge @!p0 [sflag:s8], $0x0  }
0x24: {  	s3 =	sadd.s32 $0x88, s3;
	s6 =	simm.s32 @!p1 $0x1082;
	[sflag:s4] =	ssyncset.s32 $0xFFFFF086  }
0x25: {  	[simem:s6], [sflag:s4] =	dma.local [hbm:s3], $0xF7A  }
0x26: {  	[smem:$0x3F99] =	sst s1;
	(tag) =	ssettag s2;
	_ =	strace s9  }
0x27: {  	s1 =	sld [smem:$0x3FA9]  }
0x28: {  	s2 =	sld [smem:$0x3FAA]  }
0x29: {  	s4 =	sld [smem:$0x3FAC]  }
0x2a: {  	p0 =	seq.s32 s5, $0x0;
	s5 =	sld [smem:$0x3FAD]  }
0x2b: {  	s6 =	sld [smem:$0x3FAE]  }
0x2c: {  	s7 =	sld [smem:$0x3FAF]  }
0x2d: {  	s3 =	simm.s32 $0x108;
	s8 =	sld [smem:$0x3FB0]  }
0x2e: {  	s3 =	simm.s32 @!p0 $0x1082;
	s9 =	sld [smem:$0x3FB1]  }
0x2f: {  	lr =	sadd.s32 s0, s3;
	s0 =	sld [smem:$0x3FA8]  }
0x30: {  	s3 =	sld [smem:$0x3FAB]  }
0x31: {  	[smem:$0x3FB4] =	sst s10  }
0x32: {  	s10 =	sld [smem:$0x3FB2];
	_ =	sdelay $0x3  }
0x33: {  	p0 =	seq.s32 s10, $0x1;
	s10 =	sld [smem:$0x3FB4];
	_ =	sdelay $0x3  }
0x34: {  	[smem:$0x3FB4] =	sst s10  }
0x35: {  	s10 =	sld [smem:$0x3FB3];
	_ =	sdelay $0x3  }
0x36: {  	p1 =	seq.s32 s10, $0x1;
	s10 =	sld [smem:$0x3FB4];
	_ =	sdelay $0x3  }
0x37: {  	[smem:$0x3FB4] =	sst s10  }
0x38: {  	s10 =	sld [smem:$0x3FB5]  }
0x39: {  	_ = 	snop;
	(pc) =	sbr.ind lr, $3  }
0x3a: {  	_ = 	snop  }
0x3b: {  	_ = 	snop  }
0x3c: {  	p2 =	seq.s32 s10, $0x1;
	s10 =	sld [smem:$0x3FB4]  }
0x3d: {  	_ =	shalt  }
0x3e: {  	_ =	shalt  }
0x3f: {  	_ =	shalt  }
0x40: {  	_ =	shalt  }
0x41: {  	_ =	shalt  }
0x42: {  	_ =	shalt  }
0x43: {  	_ =	shalt  }
0x44: {  	_ =	shalt  }
0x45: {  	_ =	shalt  }
0x46: {  	_ =	shalt  }
0x47: {  	_ =	shalt  }
0x48: {  	_ =	shalt  }
0x49: {  	_ =	shalt  }
0x4a: {  	_ =	shalt  }
0x4b: {  	_ =	shalt  }
0x4c: {  	_ =	shalt  }
0x4d: {  	_ =	shalt  }
0x4e: {  	_ =	shalt  }
0x4f: {  	_ =	shalt  }
0x50: {  	_ =	shalt  }
0x51: {  	_ =	shalt  }
0x52: {  	_ =	shalt  }
0x53: {  	_ =	shalt  }
0x54: {  	_ =	shalt  }
0x55: {  	_ =	shalt  }
0x56: {  	_ =	shalt  }
0x57: {  	_ =	shalt  }
0x58: {  	_ =	shalt  }
0x59: {  	_ =	shalt  }
0x5a: {  	_ =	shalt  }
0x5b: {  	_ =	shalt  }
0x5c: {  	_ =	shalt  }
0x5d: {  	_ =	shalt  }
0x5e: {  	_ =	shalt  }
0x5f: {  	_ =	shalt  }
0x60: {  	_ =	shalt  }
0x61: {  	_ =	shalt  }
0x62: {  	_ =	shalt  }
0x63: {  	_ =	shalt  }
0x64: {  	_ =	shalt  }
0x65: {  	_ =	shalt  }
0x66: {  	_ =	shalt  }
0x67: {  	_ =	shalt  }
0x68: {  	_ =	shalt  }
0x69: {  	_ =	shalt  }
0x6a: {  	_ =	shalt  }
0x6b: {  	_ =	shalt  }
0x6c: {  	_ =	shalt  }
0x6d: {  	_ =	shalt  }
0x6e: {  	_ =	shalt  }
0x6f: {  	_ =	shalt  }
0x70: {  	_ =	shalt  }
0x71: {  	_ =	shalt  }
0x72: {  	_ =	shalt  }
0x73: {  	_ =	shalt  }
0x74: {  	_ =	shalt  }
0x75: {  	_ =	shalt  }
0x76: {  	_ =	shalt  }
0x77: {  	_ =	shalt  }
0x78: {  	_ =	shalt  }
0x79: {  	_ =	shalt  }
0x7a: {  	_ =	shalt  }
0x7b: {  	_ =	shalt  }
0x7c: {  	_ =	shalt  }
0x7d: {  	_ =	shalt  }
0x7e: {  	_ =	shalt  }
0x7f: {  	_ =	shalt  }
0x80: {  	_ =	shalt  }
0x81: {  	_ =	shalt  }
0x82: {  	_ =	shalt  }
0x83: {  	_ =	shalt  }
0x84: {  	_ =	shalt  }
0x85: {  	_ =	shalt  }
0x86: {  	_ =	shalt  }
0x87: {  	_ =	shalt  }
.Lfunc_end0:
.L_simem_size_0:
called_computation_lowered:
.L_overlay_start_0:
0x88: {  	s2 =	sld [smem:$0x3FD9]  }
0x89: {  	s3 =	sld [smem:$0x3FFE];
	_ =	sdelay $0x1  }
0x8a: {  	s1 =	srdreg.scid  }
0x8b: {  	s0 =	sand.u32 $0x1, s1  }
0x8c: {  	s17 =	sshll.u32 s0, $0xA;
	s2 =	sadd.s32 s3, s2  }
0x8d: {  	s2 =	sadd.s32 s2, s17  }
0x8e: {  	[smem:$0x3FC0] =	sst s2  }
0x8f: {  	_ = 	snop  }
0x90: {  	s2 =	sld [smem:$0x3FD0];
	(tm) =	ssettm $0x1  }
0x91: {  	s18 =	sld [smem:$0x3FFB];
	_ =	sdelay $0x3  }
0x92: {  	_ =	strace s18  }
0x93: {  	s3 =	sld [smem:$0x3FFC];
	_ =	sdelay $0x3  }
0x94: {  	_ =	strace s3  }
0x95: {  	s3 =	sld [smem:$0x3FFD];
	_ =	sdelay $0x3  }
0x96: {  	_ =	strace s3  }
0x97: {  	_ =	strace $0x8FFFFFFF  }
0x98: {  	s19 =	sld [smem:$0x3FDB];
	_ =	sdelay $0x1  }
0x99: {  	s4 =	simm.s32 $_scs_section_size  }
0x9a: {  	s5 =	simm.s32 $_size__tile_overlayer_lowered;
	s6 =	simm.s32 $_tile_overlayer_lowered  }
0x9b: {  	s22 =	simm.s32 $0x1BFF;
	s21 =	sshll.u32 s6, $0x1;
	s3 =	sadd.s32 s4, s19  }
0x9c: {  	s7 =	simm.s32 $0x0;
	s20 =	sshll.u32 s5, $0x1;
	s5 =	sadd.s32 s21, s3  }
0x9d: {  	[timem:s7], [sflag:s22] =	dma.local [hbm:s5], s20  }
0x9e: {  	_ =	swait.ge [sflag:s22], s20  }
0x9f: {  	s4 =	ssub.s32 $0x0, s20;
	[sflag:s22] =	ssyncset.done $0x0  }
0xa0: {  	[sflag:s22] =	ssyncadd.s32 s4;
	_ =	sdelay $0x1  }
0xa1: {  	s23 =	simm.s32 $0x1B8B  }
0xa2: {  	_ =	swait.ge [sflag:s23], $0x1  }
0xa3: {  	[sflag:s23] =	ssyncset.done $0x0  }
0xa4: {  	s25 =	simm.s32 $0x1B8E;
	s24 =	sld [smem:$0x3FFE];
	[sflag:s23] =	ssyncadd.s32 $0xFFFFFFFF  }
0xa5: {  	s26 =	simm.s32 $execute0_lowered;
	[smem:$0x3FD2] =	sst s25  }
0xa6: {  	s5 =	sshll.u32 s26, $0x1;
	_ =	strace $0x80000046;
	[dreg:$0x1] =	wrdreg $0xFFFFFFFF  }
0xa7: {  	s28 =	simm.s32 $_size_execute0_lowered;
	s3 =	sadd.s32 s3, s5;
	[dreg:$0x0] =	wrdreg $0x0  }
0xa8: {  	s5 =	sshll.u32 s28, $0x1;
	[dreg:$0x2] =	wrdreg s3  }
0xa9: {  	[dreg:$0x3] =	wrdreg s5  }
0xaa: {  	[dreg:$0x4] =	wrdreg $0xC0  }
0xab: {  	_ =	task [dreg:s7], $0x5FFFF  }
0xac: {  	[dreg:$0x1] =	wrdreg $0xFFFFFFFF  }
0xad: {  	[dreg:$0x0] =	wrdreg $0x60  }
0xae: {  	[dreg:$0x2] =	wrdreg s24  }
0xaf: {  	[dreg:$0x3] =	wrdreg s2  }
0xb0: {  	[dreg:$0x4] =	wrdreg $0x68000  }
0xb1: {  	[dreg:$0x5] =	wrdreg $0x9  }
0xb2: {  	_ =	task.clear_ibuf [dreg:s7], $0x6FFFF;
	_ =	strace $0x90000046  }
0xb3: {  	s29 =	simm.s32 $0x9;
	_ =	strace $0x80000048  }
0xb4: {  	_ =	swait.ge [sflag:s29], $0x1  }
0xb5: {  	[sflag:s29] =	ssyncadd.s32 $0xFFFFFFFF  }
0xb6: {  	_ =	strace $0x90000048  }
0xb7: {  	_ =	sfence  }
0xb8: {  	s30 =	sld [smem:$0x0];
	_ =	sdelay $0x2  }
0xb9: {  	s31 =	sshll.u32 s1, $0xD;
	s1 =	sshrl.u32 s1, $0x2  }
0xba: {  	s3 =	sand.u32 $0x4000, s31;
	s1 =	sadd.s32 s1, s30  }
0xbb: {  	s0 =	sor.u32 s3, s0;
	s1 =	sshll.u32 s1, $0x11  }
0xbc: {  	s0 =	sor.u32 s1, s0  }
0xbd: {  	s0 =	sadd.s32 $0x8F2B, s0  }
0xbe: {  	[sflag:s0] =	ssyncadd.remote.s32 $0x1  }
0xbf: {  	_ =	sfence.sel $0xFFFF  }
0xc0: {  	[dreg:$0x0] =	wrdreg $0xFFFFFFFF;
	(pc) =	sbr.abs _section_cstart, $3  }
0xc1: {  	[dreg:$0x1] =	wrdreg $0xFFFFFFFF  }
0xc2: {  	_ =	task.clear_ibuf [dreg:s7], $0x2FFFF;
	_ =	strace $0x9FFFFFFF  }
0xc3: {  	(tm) =	ssettm $0x7FFFFFFF  }
tec
execute0_lowered:
.L_overlay_start_1:
0x0: {  	(tag) =	ssettag $0x1  }
0x1: {  	s6 =	rddreg [dreg:$0x0]  }
0x2: {  	s1 =	rddreg [dreg:$0x1]  }
0x3: {  	s2 =	rddreg [dreg:$0x2];
	s3 =	srdreg.scid  }
0x4: {  	s0 =	rddreg [dreg:$0x3];
	s4 =	simm.s32 $0x0;
	s13 =	simm.s32 $0x50  }
0x5: {  	s14 =	simm.s32 $0x1;
	s7 =	sand.u32 $0x1, s3;
	s3 =	stileid.u32  }
0x6: {  	s15 =	simm.s32 $0x0;
	[smem:$0x7FF] =	sst s4;
	s8 =	smul.u32 $0x140000, s7  }
0x7: {  	s9 =	smul.u32 $0x14000, s3;
	_ =	strace $0x80000047;
	s5 =	sshll.u32 s3, $0xB  }
0x8: {  	s28 =	ssub.s32 $0x2, s7;
	s11 =	smul.u32 $0x50000, s3;
	s7 =	sshll.u32 s7, $0xF  }
0x9: {  	s31 =	sshll.u32 s3, $0x6;
	s10 =	sadd.s32 s5, s6;
	s29 =	sshrl.u32 s28, $0x1  }
0xa: {  	s5 =	sadd.s32 $0x1D600, s6;
	s8 =	sadd.s32 s9, s8;
	s9 =	ssub.s32 s28, s29  }
0xb: {  	s30 =	sshrl.u32 s11, $0x2;
	s7 =	sadd.s32 s7, s10;
	s10 =	simm.s32 $0x2  }
0xc: {  	s11 =	sor.u32 $0x1C02, s31;
	s8 =	sshrl.u32 s8, $0x3;
	s12 =	sadd.s32 s30, s2  }
0xd: {  	s8 =	sadd.s32 s8, s6;
	s6 =	sadd.s32 $0xD600, s7;
	s12 =	sshrl.u32 s12, $0x3  }
0xe: {  	s7 =	sadd.s32 $0x1FE00, s8;
	s8 =	smax.u32 s9, $0x1;
	s9 =	simm.s32 $0x4000  }
.LBB2_1:
0xf: {  	[tilespmem:s9], [sflag:$0x2] =	stream.linear.gather [hbm4b:s1+s4], $0x2800, $0x38;
	[tilespmem:$0x1A800] =	vst v63  }
0x10: {  	_ =	swait.ge [sflag:s10], $0x2800  }
0x11: {  	[sflag:s10] =	ssyncset.done $0x0  }
0x12: {  	[sflag:s10] =	ssyncadd.s32 $0xFFFFD800  }
0x13: {  	[spmem:s12], [sflag:s11] =	dma.local [hbm:s5], $0x2800  }
0x14: {  	_ =	swait.ge [sflag:s10], $0x2800  }
0x15: {  	[sflag:s10] =	ssyncset.done $0x0  }
0x16: {  	[sflag:s10] =	ssyncadd.s32 $0xFFFFD800  }
0x17: {  	[tilespmem:s4], [sflag:$0x2] =	stream.linear.gather [hbm4b:s6+s4], $0x3E80, $0x38;
	[tilespmem:$0x1A800] =	vst v63  }
0x18: {  	_ =	swait.ge [sflag:s10], $0x3E80  }
0x19: {  	[sflag:s10] =	ssyncset.done $0x0  }
0x1a: {  	p0 =	por $0x1, $0x1;
	[sflag:s10] =	ssyncadd.s32 $0xFFFFC180  }
0x1b: {  	s18 =	simm.s32 @!p0 $0x1;
	[bflag:$0x0] =	sbarrier.arrive $0xFFFF  }
0x1c: {  	[spmem:s2] =	stream.indirect.scatter.add.f32 [tilespmem:s9], [sflag:$0x1], $0x80, s4, s13, $0xb8;
	[tilespmem:$0x1A800] =	vst v63  }
0x1d: {  	_ =	swait.ge @!p0 [sflag:s18], $0x2800  }
0x1e: {  	s16 =	simm.s32 $0x1;
	s17 =	simm.s32 $0x0;
	[sflag:s18] =	ssyncset.done @!p0 $0x0  }
.LBB2_2:
0x1f: {  	[sflag:s18] =	ssyncadd.s32 @!p0 $0xFFFFD800  }
0x20: {  	s17 =	sadd.s32 $0x80, s17;
	s18 =	smov.u32 s16;
	s16 =	sadd.s32 $0x1, s16  }
0x21: {  	p1 =	sne.s32 s16, $0x7D  }
0x22: {  	[spmem:s2] =	stream.indirect.scatter.add.f32 [tilespmem:s9], [sflag:$0x1], $0x80, s17, s13, $0xb8;
	[tilespmem:$0x1A800] =	vst v63  }
.Ltmp0:
0x23: {  	_ = 	snop;
	(pc) =	sbr.rel @p1 .LBB2_2-.Ltmp0, $4  }
0x24: {  	p0 =	slt.u32 s18, $0x8  }
0x25: {  	s18 =	simm.s32 @!p0 $0x1  }
0x26: {  	_ =	swait.ge @!p0 [sflag:s18], $0x2800  }
0x27: {  	[sflag:s18] =	ssyncset.done @!p0 $0x0  }
0x28: {  	[sflag:s18] =	ssyncadd.s32 @!p0 $0xFFFFD800  }
0x29: {  	_ =	swait.ge [sflag:s14], $0x2800  }
0x2a: {  	[sflag:s14] =	ssyncset.done $0x0  }
0x2b: {  	[sflag:s14] =	ssyncadd.s32 $0xFFFFD800  }
0x2c: {  	_ =	swait.ge [sflag:s14], $0x2800  }
0x2d: {  	[sflag:s14] =	ssyncset.done $0x0  }
0x2e: {  	[sflag:s14] =	ssyncadd.s32 $0xFFFFD800  }
0x2f: {  	_ =	swait.ge [sflag:s14], $0x2800  }
0x30: {  	[sflag:s14] =	ssyncset.done $0x0  }
0x31: {  	[sflag:s14] =	ssyncadd.s32 $0xFFFFD800  }
0x32: {  	_ =	swait.ge [sflag:s14], $0x2800  }
0x33: {  	[sflag:s14] =	ssyncset.done $0x0  }
0x34: {  	[sflag:s14] =	ssyncadd.s32 $0xFFFFD800  }
0x35: {  	_ =	swait.ge [sflag:s14], $0x2800  }
0x36: {  	[sflag:s14] =	ssyncset.done $0x0  }
0x37: {  	[sflag:s14] =	ssyncadd.s32 $0xFFFFD800  }
0x38: {  	_ =	swait.ge [sflag:s14], $0x2800  }
0x39: {  	[sflag:s14] =	ssyncset.done $0x0  }
0x3a: {  	[sflag:s14] =	ssyncadd.s32 $0xFFFFD800  }
0x3b: {  	_ =	swait.ge [sflag:s14], $0x2800  }
0x3c: {  	[sflag:s14] =	ssyncset.done $0x0  }
0x3d: {  	[sflag:s14] =	ssyncadd.s32 $0xFFFFD800  }
0x3e: {  	_ =	swait.ge [sflag:s14], $0x2800  }
0x3f: {  	s15 =	sadd.s32 $0x1, s15;
	[sflag:s14] =	ssyncset.done $0x0  }
0x40: {  	p0 =	sne.s32 s15, s8;
	[sflag:s14] =	ssyncadd.s32 $0xFFFFD800  }
.Ltmp1:
0x41: {  	[bflag:$0x0] =	sbarrier.arrive $0xFFFF;
	(pc) =	sbr.rel @p0 .LBB2_1-.Ltmp1, $4  }
0x42: {  	[hbm:s7], [sflag:s11] =	dma.local [spmem:s12], $0x2800  }
0x43: {  	_ =	swait.ge [sflag:s10], $0x2800  }
0x44: {  	[sflag:s10] =	ssyncset.done $0x0  }
0x45: {  	[sflag:s10] =	ssyncadd.s32 $0xFFFFD800  }
0x46: {  	_ =	sfence.sel $0x180000  }
0x47: {  	[bflag:$0x0] =	sbarrier.arrive $0xFFFF  }
0x48: {  	p0 =	sne.s32 s3, $0x0;
	_ =	strace $0x90000047  }
0x49: {  	s0 =	sadd.s32 @!p0 $0x100000, s0;
	[bflag:$0x2] =	sbarrier.arrive $0xFFFF  }
0x4a: {  	[sflag:s0] =	ssyncadd.tile.s32 @!p0 $0x1;
	_ =	shalt  }
.Lfunc_end2:
_tile_overlayer_lowered:
.L_overlay_start_2:
0x4b: {  	(tag) =	ssettag $0x2  }
0x4c: {  	s0 =	rddreg [dreg:$0x0];
	s2 =	stileid.u32  }
0x4d: {  	s1 =	rddreg [dreg:$0x1];
	p0 =	sne.s32 s2, $0x0  }
0x4e: {  	s3 =	rddreg [dreg:$0x2];
	[bflag:$0x3] =	sbarrier.arrive $0xFFFF;
	s2 =	simm.s32 @!p0 $0x1C02  }
0x4f: {  	[timem:s3], [sflag:s2] =	dma.local @!p0 [hbm:s0], s1  }
0x50: {  	s0 =	simm.s32 @!p0 $0x2  }
0x51: {  	_ =	swait.ge @!p0 [sflag:s0], s1  }
0x52: {  	s1 =	ssub.s32 @!p0 $0x0, s1;
	[sflag:s0] =	ssyncset.done @!p0 $0x0  }
0x53: {  	[sflag:s0] =	ssyncadd.s32 @!p0 s1  }
0x54: {  	[bflag:$0x3] =	sbarrier.arrive $0xFFFF  }
0x55: {  	_ =	shalt  }

// kernel: kernel.13.cloned.1.call-start
scs
__scs_entry_jumppad:
0x0: {  	(pc) =	sbr.rel $0x88, $3  }
0x1: {  	(tag) =	ssettag $0x0;
	lr =	simm.s32 $0x1  }
0x2: {  	[smem:$0x3F99] =	sst lr;
	_ =	strace $0xD0000000  }
0x3: {  	_ = 	snop  }
0x4: {  	_ = 	snop  }
0x5: {  	_ = 	snop  }
0x6: {  	_ = 	snop  }
0x7: {  	_ = 	snop  }
__scs_overlays_trampoline_lowered:
0x8: {  	[smem:$0x3FA8] =	sst s0  }
0x9: {  	[smem:$0x3FA9] =	sst s1  }
0xa: {  	[smem:$0x3FAA] =	sst s2  }
0xb: {  	[smem:$0x3FAB] =	sst s3  }
0xc: {  	[smem:$0x3FAC] =	sst s4  }
0xd: {  	[smem:$0x3FAD] =	sst s5  }
0xe: {  	[smem:$0x3FAE] =	sst s6  }
0xf: {  	[smem:$0x3FAF] =	sst s7  }
0x10: {  	[smem:$0x3FB0] =	sst s8  }
0x11: {  	[smem:$0x3FB1] =	sst s9;
	s0 =	simm.s32 @!p0 $0x0  }
0x12: {  	s1 =	sld [smem:$0x3F97];
	s0 =	simm.s32 @p0 $0x1  }
0x13: {  	[smem:$0x3FB2] =	sst s0;
	s0 =	simm.s32 @!p1 $0x0  }
0x14: {  	s2 =	sld [smem:$0x3F96];
	s0 =	simm.s32 @p1 $0x1  }
0x15: {  	[smem:$0x3FB3] =	sst s0;
	s0 =	simm.s32 @!p2 $0x0  }
0x16: {  	s3 =	sld [smem:$0x3FDB];
	s0 =	simm.s32 @p2 $0x1  }
0x17: {  	s4 =	simm.s32 $0x1BF5;
	[smem:$0x3FB5] =	sst s0  }
0x18: {  	s0 =	sld [smem:$0x3F98];
	_ =	swait.ge [sflag:s4], $0x0  }
0x19: {  	s7 =	sld [smem:$0x3F99]  }
0x1a: {  	s8 =	sadd.s32 $0xFFFFE003, lr  }
0x1b: {  	s9 =	sadd.s32 $0xFFFFFEF7, lr;
	s5 =	simm.s32 $0xFFFFFFFF;
	p2 =	slt.u32 s8, $0xFFFFF086  }
0x1c: {  	p1 =	slt.u32 s9, $0xF7A;
	s5 =	simm.s32 @!p2 $0x0  }
0x1d: {  	s5 =	simm.s32 @p1 $0x1;
	p0 =	seq.s32 s7, s2  }
0x1e: {  	s7 =	smul.u32 @!p0 $0xF7A, s2;
	p2 =	seq.s32 @!p0 s5, $0x0  }
0x1f: {  	s9 =	smul.u32 $0xF7A, s1;
	s8 =	simm.s32 @!p0 $0x1BF5;
	p2 =	por !p2, p0  }
0x20: {  	[sflag:s8] =	ssyncset.s32 @!p0 $0xFFFFF086;
	s6 =	sadd.s32 @!p0 s3, s7;
	s7 =	simm.s32 @!p0 $0x108  }
0x21: {  	s3 =	sadd.s32 s3, s9;
	s6 =	sadd.s32 @!p0 $0x88, s6;
	s7 =	simm.s32 @p2 $0x1082  }
0x22: {  	[simem:s7], [sflag:s8] =	dma.local @!p0 [hbm:s6], $0xF7A  }
0x23: {  	s9 =	sor.u32 $0xD0000000, s2;
	s6 =	simm.s32 $0x108;
	_ =	swait.ge @!p0 [sflag:s8], $0x0  }
0x24: {  	s3 =	sadd.s32 $0x88, s3;
	s6 =	simm.s32 @!p1 $0x1082;
	[sflag:s4] =	ssyncset.s32 $0xFFFFF086  }
0x25: {  	[simem:s6], [sflag:s4] =	dma.local [hbm:s3], $0xF7A  }
0x26: {  	[smem:$0x3F99] =	sst s1;
	(tag) =	ssettag s2;
	_ =	strace s9  }
0x27: {  	s1 =	sld [smem:$0x3FA9]  }
0x28: {  	s2 =	sld [smem:$0x3FAA]  }
0x29: {  	s4 =	sld [smem:$0x3FAC]  }
0x2a: {  	p0 =	seq.s32 s5, $0x0;
	s5 =	sld [smem:$0x3FAD]  }
0x2b: {  	s6 =	sld [smem:$0x3FAE]  }
0x2c: {  	s7 =	sld [smem:$0x3FAF]  }
0x2d: {  	s3 =	simm.s32 $0x108;
	s8 =	sld [smem:$0x3FB0]  }
0x2e: {  	s3 =	simm.s32 @!p0 $0x1082;
	s9 =	sld [smem:$0x3FB1]  }
0x2f: {  	lr =	sadd.s32 s0, s3;
	s0 =	sld [smem:$0x3FA8]  }
0x30: {  	s3 =	sld [smem:$0x3FAB]  }
0x31: {  	[smem:$0x3FB4] =	sst s10  }
0x32: {  	s10 =	sld [smem:$0x3FB2];
	_ =	sdelay $0x3  }
0x33: {  	p0 =	seq.s32 s10, $0x1;
	s10 =	sld [smem:$0x3FB4];
	_ =	sdelay $0x3  }
0x34: {  	[smem:$0x3FB4] =	sst s10  }
0x35: {  	s10 =	sld [smem:$0x3FB3];
	_ =	sdelay $0x3  }
0x36: {  	p1 =	seq.s32 s10, $0x1;
	s10 =	sld [smem:$0x3FB4];
	_ =	sdelay $0x3  }
0x37: {  	[smem:$0x3FB4] =	sst s10  }
0x38: {  	s10 =	sld [smem:$0x3FB5]  }
0x39: {  	_ = 	snop;
	(pc) =	sbr.ind lr, $3  }
0x3a: {  	_ = 	snop  }
0x3b: {  	_ = 	snop  }
0x3c: {  	p2 =	seq.s32 s10, $0x1;
	s10 =	sld [smem:$0x3FB4]  }
0x3d: {  	_ =	shalt  }
0x3e: {  	_ =	shalt  }
0x3f: {  	_ =	shalt  }
0x40: {  	_ =	shalt  }
0x41: {  	_ =	shalt  }
0x42: {  	_ =	shalt  }
0x43: {  	_ =	shalt  }
0x44: {  	_ =	shalt  }
0x45: {  	_ =	shalt  }
0x46: {  	_ =	shalt  }
0x47: {  	_ =	shalt  }
0x48: {  	_ =	shalt  }
0x49: {  	_ =	shalt  }
0x4a: {  	_ =	shalt  }
0x4b: {  	_ =	shalt  }
0x4c: {  	_ =	shalt  }
0x4d: {  	_ =	shalt  }
0x4e: {  	_ =	shalt  }
0x4f: {  	_ =	shalt  }
0x50: {  	_ =	shalt  }
0x51: {  	_ =	shalt  }
0x52: {  	_ =	shalt  }
0x53: {  	_ =	shalt  }
0x54: {  	_ =	shalt  }
0x55: {  	_ =	shalt  }
0x56: {  	_ =	shalt  }
0x57: {  	_ =	shalt  }
0x58: {  	_ =	shalt  }
0x59: {  	_ =	shalt  }
0x5a: {  	_ =	shalt  }
0x5b: {  	_ =	shalt  }
0x5c: {  	_ =	shalt  }
0x5d: {  	_ =	shalt  }
0x5e: {  	_ =	shalt  }
0x5f: {  	_ =	shalt  }
0x60: {  	_ =	shalt  }
0x61: {  	_ =	shalt  }
0x62: {  	_ =	shalt  }
0x63: {  	_ =	shalt  }
0x64: {  	_ =	shalt  }
0x65: {  	_ =	shalt  }
0x66: {  	_ =	shalt  }
0x67: {  	_ =	shalt  }
0x68: {  	_ =	shalt  }
0x69: {  	_ =	shalt  }
0x6a: {  	_ =	shalt  }
0x6b: {  	_ =	shalt  }
0x6c: {  	_ =	shalt  }
0x6d: {  	_ =	shalt  }
0x6e: {  	_ =	shalt  }
0x6f: {  	_ =	shalt  }
0x70: {  	_ =	shalt  }
0x71: {  	_ =	shalt  }
0x72: {  	_ =	shalt  }
0x73: {  	_ =	shalt  }
0x74: {  	_ =	shalt  }
0x75: {  	_ =	shalt  }
0x76: {  	_ =	shalt  }
0x77: {  	_ =	shalt  }
0x78: {  	_ =	shalt  }
0x79: {  	_ =	shalt  }
0x7a: {  	_ =	shalt  }
0x7b: {  	_ =	shalt  }
0x7c: {  	_ =	shalt  }
0x7d: {  	_ =	shalt  }
0x7e: {  	_ =	shalt  }
0x7f: {  	_ =	shalt  }
0x80: {  	_ =	shalt  }
0x81: {  	_ =	shalt  }
0x82: {  	_ =	shalt  }
0x83: {  	_ =	shalt  }
0x84: {  	_ =	shalt  }
0x85: {  	_ =	shalt  }
0x86: {  	_ =	shalt  }
0x87: {  	_ =	shalt  }
.Lfunc_end0:
.L_simem_size_0:
called_computation.1_lowered:
.L_overlay_start_0:
0x88: {  	s2 =	sld [smem:$0x3FD9]  }
0x89: {  	s3 =	sld [smem:$0x3FFE];
	_ =	sdelay $0x1  }
0x8a: {  	s1 =	srdreg.scid  }
0x8b: {  	s0 =	sand.u32 $0x1, s1  }
0x8c: {  	s17 =	sshll.u32 s0, $0xA;
	s2 =	sadd.s32 s3, s2  }
0x8d: {  	s2 =	sadd.s32 s2, s17  }
0x8e: {  	[smem:$0x3FC0] =	sst s2  }
0x8f: {  	_ = 	snop  }
0x90: {  	s2 =	sld [smem:$0x3FD0];
	(tm) =	ssettm $0x1  }
0x91: {  	s18 =	sld [smem:$0x3FFB];
	_ =	sdelay $0x3  }
0x92: {  	_ =	strace s18  }
0x93: {  	s3 =	sld [smem:$0x3FFC];
	_ =	sdelay $0x3  }
0x94: {  	_ =	strace s3  }
0x95: {  	s3 =	sld [smem:$0x3FFD];
	_ =	sdelay $0x3  }
0x96: {  	_ =	strace s3  }
0x97: {  	_ =	strace $0x8FFFFFFF  }
0x98: {  	s19 =	sld [smem:$0x3FDB];
	_ =	sdelay $0x1  }
0x99: {  	s4 =	simm.s32 $_scs_section_size  }
0x9a: {  	s5 =	simm.s32 $_size__tile_overlayer_lowered;
	s6 =	simm.s32 $_tile_overlayer_lowered  }
0x9b: {  	s22 =	simm.s32 $0x1BFF;
	s21 =	sshll.u32 s6, $0x1;
	s3 =	sadd.s32 s4, s19  }
0x9c: {  	s7 =	simm.s32 $0x0;
	s20 =	sshll.u32 s5, $0x1;
	s5 =	sadd.s32 s21, s3  }
0x9d: {  	[timem:s7], [sflag:s22] =	dma.local [hbm:s5], s20  }
0x9e: {  	_ =	swait.ge [sflag:s22], s20  }
0x9f: {  	s4 =	ssub.s32 $0x0, s20;
	[sflag:s22] =	ssyncset.done $0x0  }
0xa0: {  	[sflag:s22] =	ssyncadd.s32 s4;
	_ =	sdelay $0x1  }
0xa1: {  	s23 =	simm.s32 $0x1B8B  }
0xa2: {  	_ =	swait.ge [sflag:s23], $0x1  }
0xa3: {  	[sflag:s23] =	ssyncset.done $0x0  }
0xa4: {  	s25 =	simm.s32 $0x1B8E;
	s24 =	sld [smem:$0x3FFE];
	[sflag:s23] =	ssyncadd.s32 $0xFFFFFFFF  }
0xa5: {  	s26 =	simm.s32 $execute0_lowered;
	[smem:$0x3FD2] =	sst s25  }
0xa6: {  	s5 =	sshll.u32 s26, $0x1;
	_ =	strace $0x80000049;
	[dreg:$0x1] =	wrdreg $0xFFFFFFFF  }
0xa7: {  	s28 =	simm.s32 $_size_execute0_lowered;
	s3 =	sadd.s32 s3, s5;
	[dreg:$0x0] =	wrdreg $0x0  }
0xa8: {  	s5 =	sshll.u32 s28, $0x1;
	[dreg:$0x2] =	wrdreg s3  }
0xa9: {  	[dreg:$0x3] =	wrdreg s5  }
0xaa: {  	[dreg:$0x4] =	wrdreg $0xC0  }
0xab: {  	_ =	task [dreg:s7], $0x5FFFF  }
0xac: {  	[dreg:$0x1] =	wrdreg $0xFFFFFFFF  }
0xad: {  	[dreg:$0x0] =	wrdreg $0x60  }
0xae: {  	[dreg:$0x2] =	wrdreg s2  }
0xaf: {  	[dreg:$0x3] =	wrdreg s24  }
0xb0: {  	[dreg:$0x4] =	wrdreg $0xB7800  }
0xb1: {  	[dreg:$0x5] =	wrdreg $0x9  }
0xb2: {  	_ =	task.clear_ibuf [dreg:s7], $0x6FFFF;
	_ =	strace $0x90000049  }
0xb3: {  	s29 =	simm.s32 $0x9;
	_ =	strace $0x8000004B  }
0xb4: {  	_ =	swait.ge [sflag:s29], $0x1  }
0xb5: {  	[sflag:s29] =	ssyncadd.s32 $0xFFFFFFFF  }
0xb6: {  	_ =	strace $0x9000004B  }
0xb7: {  	_ =	sfence  }
0xb8: {  	s30 =	sld [smem:$0x0];
	_ =	sdelay $0x2  }
0xb9: {  	s31 =	sshll.u32 s1, $0xD;
	s1 =	sshrl.u32 s1, $0x2  }
0xba: {  	s3 =	sand.u32 $0x4000, s31;
	s1 =	sadd.s32 s1, s30  }
0xbb: {  	s0 =	sor.u32 s3, s0;
	s1 =	sshll.u32 s1, $0x11  }
0xbc: {  	s0 =	sor.u32 s1, s0  }
0xbd: {  	s0 =	sadd.s32 $0x8F2B, s0  }
0xbe: {  	[sflag:s0] =	ssyncadd.remote.s32 $0x1  }
0xbf: {  	_ =	sfence.sel $0xFFFF  }
0xc0: {  	[dreg:$0x0] =	wrdreg $0xFFFFFFFF;
	(pc) =	sbr.abs _section_cstart, $3  }
0xc1: {  	[dreg:$0x1] =	wrdreg $0xFFFFFFFF  }
0xc2: {  	_ =	task.clear_ibuf [dreg:s7], $0x2FFFF;
	_ =	strace $0x9FFFFFFF  }
0xc3: {  	(tm) =	ssettm $0x7FFFFFFF  }
tec
execute0_lowered:
.L_overlay_start_1:
0x0: {  	(tag) =	ssettag $0x1  }
0x1: {  	s1 =	rddreg [dreg:$0x0]  }
0x2: {  	s7 =	rddreg [dreg:$0x1]  }
0x3: {  	s0 =	srdreg.scid;
	s3 =	rddreg [dreg:$0x2];
	s4 =	simm.s32 $0x0  }
0x4: {  	s14 =	simm.s32 $0x50;
	s15 =	simm.s32 $0x6780;
	s16 =	simm.s32 $0x8F80  }
0x5: {  	s17 =	simm.s32 $0x1;
	s18 =	simm.s32 $0x2;
	s6 =	sand.u32 $0x1, s0  }
0x6: {  	s19 =	simm.s32 $0x6580;
	s0 =	stileid.u32;
	s9 =	smul.u32 $0x140000, s6  }
0x7: {  	s20 =	simm.s32 $0x0;
	[smem:$0x7FF] =	sst s4;
	s10 =	smul.u32 $0x14000, s0  }
0x8: {  	s2 =	sshll.u32 s6, $0x4;
	s29 =	smul.u32 $0x50000, s0;
	s6 =	ssub.s32 $0x2, s6  }
0x9: {  	s31 =	sshll.u32 s0, $0x6;
	s5 =	sor.u32 s0, s2;
	s2 =	rddreg [dreg:$0x3]  }
0xa: {  	_ =	strace $0x8000004A;
	s30 =	sshrl.u32 s6, $0x1;
	s8 =	smul.u32 $0x4E2, s5  }
0xb: {  	s5 =	sshll.u32 s5, $0xB;
	s9 =	sadd.s32 s10, s9;
	s10 =	sshrl.u32 s29, $0x2  }
0xc: {  	s12 =	ssub.s32 s6, s30;
	s6 =	sor.u32 $0x1C03, s31;
	s11 =	sadd.s32 s5, s7  }
0xd: {  	s5 =	sadd.s32 $0x1D600, s7;
	s9 =	sshrl.u32 s9, $0x3;
	s13 =	sadd.s32 s10, s3  }
0xe: {  	s10 =	smax.u32 s12, $0x1;
	s12 =	simm.s32 $0x3;
	s8 =	sadd.s32 s8, s7  }
0xf: {  	s9 =	sadd.s32 s9, s7;
	s7 =	sadd.s32 $0x3800, s8;
	s8 =	sadd.s32 $0xD600, s11  }
0x10: {  	s9 =	sadd.s32 $0x47000, s9;
	s11 =	sshrl.u32 s13, $0x3;
	s13 =	simm.s32 $0x2780  }
.LBB2_1:
0x11: {  	[spmem:s11], [sflag:s6] =	dma.local [hbm:s5], $0x2800  }
0x12: {  	_ =	swait.ge [sflag:s12], $0x2800  }
0x13: {  	[sflag:s12] =	ssyncset.done $0x0  }
0x14: {  	[sflag:s12] =	ssyncadd.s32 $0xFFFFD800  }
0x15: {  	[tilespmem:s4], [sflag:$0x3] =	stream.linear.gather [hbm4b:s7+s4], $0x2710, $0x38;
	[tilespmem:$0x1F780] =	vst v63  }
0x16: {  	_ =	swait.ge [sflag:s12], $0x2710  }
0x17: {  	[sflag:s12] =	ssyncset.done $0x0  }
0x18: {  	[sflag:s12] =	ssyncadd.s32 $0xFFFFD8F0  }
0x19: {  	[tilespmem:s13], [sflag:$0x3] =	stream.linear.gather [hbm4b:s8+s4], $0x3E80, $0x38;
	[tilespmem:$0x1F780] =	vst v63  }
0x1a: {  	_ =	swait.ge [sflag:s12], $0x3E80  }
0x1b: {  	[sflag:s12] =	ssyncset.done $0x0  }
0x1c: {  	[sflag:s12] =	ssyncadd.s32 $0xFFFFC180  }
0x1d: {  	[bflag:$0x0] =	sbarrier.arrive $0xFFFF  }
0x1e: {  	[tilespmem:s15], [sflag:$0x1] =	stream.indirect.gather [hbm4b:s1+s14], $0x80, s4, s14, $0xb8;
	[tilespmem:$0x1F780] =	vst v63  }
0x1f: {  	s21 =	simm.s32 $0x50  }
0x20: {  	[tilespmem:s16], [sflag:$0x2] =	stream.indirect.gather [hbm4b:s1+s14], $0x80, s21, s14, $0xb8;
	[tilespmem:$0x1F780] =	vst v63  }
0x21: {  	_ =	swait.ge [sflag:s17], $0x2800  }
0x22: {  	[sflag:s17] =	ssyncset.done $0x0  }
0x23: {  	s29 =	simm.s32 $0x2780;
	[sflag:s17] =	ssyncadd.s32 $0xFFFFD800  }
0x24: {  	[spmem:s3] =	stream.indirect.scatter.add.f32 [tilespmem:s15], [sflag:$0x3], $0x80, s29, s14, $0xb8;
	[tilespmem:$0x1F780] =	vst v63  }
0x25: {  	_ =	swait.ge [sflag:s12], $0x2800  }
0x26: {  	[sflag:s12] =	ssyncset.done $0x0  }
0x27: {  	s30 =	simm.s32 $0xA0;
	[sflag:s12] =	ssyncadd.s32 $0xFFFFD800  }
0x28: {  	[tilespmem:s15], [sflag:$0x1] =	stream.indirect.gather [hbm4b:s1+s14], $0x80, s30, s14, $0xb8;
	[tilespmem:$0x1F780] =	vst v63  }
0x29: {  	_ =	swait.ge [sflag:s18], $0x2800  }
0x2a: {  	[sflag:s18] =	ssyncset.done $0x0  }
0x2b: {  	s31 =	simm.s32 $0x2800;
	[sflag:s18] =	ssyncadd.s32 $0xFFFFD800  }
0x2c: {  	[spmem:s3] =	stream.indirect.scatter.add.f32 [tilespmem:s16], [sflag:$0x3], $0x80, s31, s14, $0xb8;
	[tilespmem:$0x1F780] =	vst v63  }
0x2d: {  	s22 =	simm.s32 $0x400;
	_ =	swait.ge [sflag:s12], $0x2800  }
0x2e: {  	s23 =	simm.s32 $0x800;
	s21 =	simm.s32 $0x140;
	[sflag:s12] =	ssyncset.done $0x0  }
.LBB2_2:
0x2f: {  	p0 =	sne.s32 s23, $0xF400;
	s24 =	sadd.s32 $0xFFFFFFB0, s21;
	[sflag:s12] =	ssyncadd.s32 $0xFFFFD800  }
0x30: {  	[tilespmem:s16], [sflag:$0x2] =	stream.indirect.gather [hbm4b:s1+s14], $0x80, s24, s14, $0xb8;
	[tilespmem:$0x1F780] =	vst v63  }
0x31: {  	s24 =	smov.u32 s23;
	s23 =	sadd.s32 $0x400, s23;
	_ =	swait.ge [sflag:s17], $0x2800  }
0x32: {  	s25 =	sshra.s32 s22, $0x2;
	s22 =	smov.u32 s24;
	[sflag:s17] =	ssyncset.done $0x0  }
0x33: {  	s24 =	sadd.s32 $0x2780, s25;
	[sflag:s17] =	ssyncadd.s32 $0xFFFFD800  }
0x34: {  	[spmem:s3] =	stream.indirect.scatter.add.f32 [tilespmem:s15], [sflag:$0x3], $0x80, s24, s14, $0xb8;
	[tilespmem:$0x1F780] =	vst v63  }
0x35: {  	_ =	swait.ge [sflag:s12], $0x2800  }
0x36: {  	[sflag:s12] =	ssyncset.done $0x0  }
0x37: {  	[sflag:s12] =	ssyncadd.s32 $0xFFFFD800  }
0x38: {  	[tilespmem:s15], [sflag:$0x1] =	stream.indirect.gather [hbm4b:s1+s14], $0x80, s21, s14, $0xb8;
	[tilespmem:$0x1F780] =	vst v63  }
0x39: {  	_ =	swait.ge [sflag:s18], $0x2800  }
.Ltmp0:
0x3a: {  	[sflag:s18] =	ssyncset.done $0x0;
	(pc) =	sbr.rel @p0 .LBB2_2-.Ltmp0, $4  }
0x3b: {  	s24 =	sadd.s32 $0x2800, s25;
	[sflag:s18] =	ssyncadd.s32 $0xFFFFD800  }
0x3c: {  	[spmem:s3] =	stream.indirect.scatter.add.f32 [tilespmem:s16], [sflag:$0x3], $0x80, s24, s14, $0xb8;
	[tilespmem:$0x1F780] =	vst v63  }
0x3d: {  	_ =	swait.ge [sflag:s12], $0x2800  }
0x3e: {  	s21 =	sadd.s32 $0xA0, s21;
	[sflag:s12] =	ssyncset.done $0x0  }
0x3f: {  	s23 =	sadd.s32 $0xFFFFFFB0, s21;
	[sflag:s12] =	ssyncadd.s32 $0xFFFFD800  }
0x40: {  	[tilespmem:s16], [sflag:$0x2] =	stream.indirect.gather [hbm4b:s1+s14], $0x80, s23, s14, $0xb8;
	[tilespmem:$0x1F780] =	vst v63  }
0x41: {  	_ =	swait.ge [sflag:s17], $0x2800  }
0x42: {  	s22 =	sshra.s32 s22, $0x2;
	[sflag:s17] =	ssyncset.done $0x0  }
0x43: {  	s30 =	sadd.s32 $0x2780, s22;
	[sflag:s17] =	ssyncadd.s32 $0xFFFFD800  }
0x44: {  	[spmem:s3] =	stream.indirect.scatter.add.f32 [tilespmem:s15], [sflag:$0x3], $0x80, s30, s14, $0xb8;
	[tilespmem:$0x1F780] =	vst v63  }
0x45: {  	_ =	swait.ge [sflag:s12], $0x2800  }
0x46: {  	[sflag:s12] =	ssyncset.done $0x0  }
0x47: {  	[sflag:s12] =	ssyncadd.s32 $0xFFFFD800  }
0x48: {  	[tilespmem:s15], [sflag:$0x1] =	stream.indirect.gather [hbm4b:s1+s14], $0x80, s21, s14, $0xb8;
	[tilespmem:$0x1F780] =	vst v63  }
0x49: {  	_ =	swait.ge [sflag:s18], $0x2800  }
0x4a: {  	[sflag:s18] =	ssyncset.done $0x0  }
0x4b: {  	s31 =	sadd.s32 $0x2800, s22;
	[sflag:s18] =	ssyncadd.s32 $0xFFFFD800  }
0x4c: {  	[spmem:s3] =	stream.indirect.scatter.add.f32 [tilespmem:s16], [sflag:$0x3], $0x80, s31, s14, $0xb8;
	[tilespmem:$0x1F780] =	vst v63  }
0x4d: {  	_ =	swait.ge [sflag:s12], $0x2800  }
0x4e: {  	[sflag:s12] =	ssyncset.done $0x0  }
0x4f: {  	[sflag:s12] =	ssyncadd.s32 $0xFFFFD800  }
0x50: {  	_ =	swait.ge [sflag:s17], $0x2800  }
0x51: {  	[sflag:s17] =	ssyncset.done $0x0  }
0x52: {  	[sflag:s17] =	ssyncadd.s32 $0xFFFFD800  }
0x53: {  	[spmem:s3] =	stream.indirect.scatter.add.f32 [tilespmem:s15], [sflag:$0x3], $0x80, s19, s14, $0xb8;
	[tilespmem:$0x1F780] =	vst v63  }
0x54: {  	_ =	swait.ge [sflag:s12], $0x2800  }
0x55: {  	s20 =	sadd.s32 $0x1, s20;
	[sflag:s12] =	ssyncset.done $0x0  }
0x56: {  	p0 =	sne.s32 s20, s10;
	[sflag:s12] =	ssyncadd.s32 $0xFFFFD800  }
.Ltmp1:
0x57: {  	[bflag:$0x0] =	sbarrier.arrive $0xFFFF;
	(pc) =	sbr.rel @p0 .LBB2_1-.Ltmp1, $4  }
0x58: {  	[hbm:s9], [sflag:s6] =	dma.local [spmem:s11], $0x2800  }
0x59: {  	_ =	swait.ge [sflag:s12], $0x2800  }
0x5a: {  	[sflag:s12] =	ssyncset.done $0x0  }
0x5b: {  	[sflag:s12] =	ssyncadd.s32 $0xFFFFD800  }
0x5c: {  	_ =	sfence.sel $0x180000  }
0x5d: {  	[bflag:$0x0] =	sbarrier.arrive $0xFFFF  }
0x5e: {  	p0 =	sne.s32 s0, $0x0;
	_ =	strace $0x9000004A  }
0x5f: {  	s0 =	sadd.s32 @!p0 $0x100000, s2;
	[bflag:$0x2] =	sbarrier.arrive $0xFFFF  }
0x60: {  	[sflag:s0] =	ssyncadd.tile.s32 @!p0 $0x1;
	_ =	shalt  }
.Lfunc_end2:
_tile_overlayer_lowered:
.L_overlay_start_2:
0x61: {  	(tag) =	ssettag $0x2  }
0x62: {  	s0 =	rddreg [dreg:$0x0];
	s2 =	stileid.u32  }
0x63: {  	s1 =	rddreg [dreg:$0x1];
	p0 =	sne.s32 s2, $0x0  }
0x64: {  	s3 =	rddreg [dreg:$0x2];
	[bflag:$0x3] =	sbarrier.arrive $0xFFFF;
	s2 =	simm.s32 @!p0 $0x1C03  }
0x65: {  	[timem:s3], [sflag:s2] =	dma.local @!p0 [hbm:s0], s1  }
0x66: {  	s0 =	simm.s32 @!p0 $0x3  }
0x67: {  	_ =	swait.ge @!p0 [sflag:s0], s1  }
0x68: {  	s1 =	ssub.s32 @!p0 $0x0, s1;
	[sflag:s0] =	ssyncset.done @!p0 $0x0  }
0x69: {  	[sflag:s0] =	ssyncadd.s32 @!p0 s1  }
0x6a: {  	[bflag:$0x3] =	sbarrier.arrive $0xFFFF  }
0x6b: {  	_ =	shalt  }

// kernel: kernel.16.cloned.1.call-start
scs
__scs_entry_jumppad:
0x0: {  	(pc) =	sbr.rel $0x88, $3  }
0x1: {  	(tag) =	ssettag $0x0;
	lr =	simm.s32 $0x1  }
0x2: {  	[smem:$0x3F99] =	sst lr;
	_ =	strace $0xD0000000  }
0x3: {  	_ = 	snop  }
0x4: {  	_ = 	snop  }
0x5: {  	_ = 	snop  }
0x6: {  	_ = 	snop  }
0x7: {  	_ = 	snop  }
__scs_overlays_trampoline_lowered:
0x8: {  	[smem:$0x3FA8] =	sst s0  }
0x9: {  	[smem:$0x3FA9] =	sst s1  }
0xa: {  	[smem:$0x3FAA] =	sst s2  }
0xb: {  	[smem:$0x3FAB] =	sst s3  }
0xc: {  	[smem:$0x3FAC] =	sst s4  }
0xd: {  	[smem:$0x3FAD] =	sst s5  }
0xe: {  	[smem:$0x3FAE] =	sst s6  }
0xf: {  	[smem:$0x3FAF] =	sst s7  }
0x10: {  	[smem:$0x3FB0] =	sst s8  }
0x11: {  	[smem:$0x3FB1] =	sst s9;
	s0 =	simm.s32 @!p0 $0x0  }
0x12: {  	s1 =	sld [smem:$0x3F97];
	s0 =	simm.s32 @p0 $0x1  }
0x13: {  	[smem:$0x3FB2] =	sst s0;
	s0 =	simm.s32 @!p1 $0x0  }
0x14: {  	s2 =	sld [smem:$0x3F96];
	s0 =	simm.s32 @p1 $0x1  }
0x15: {  	[smem:$0x3FB3] =	sst s0;
	s0 =	simm.s32 @!p2 $0x0  }
0x16: {  	s3 =	sld [smem:$0x3FDB];
	s0 =	simm.s32 @p2 $0x1  }
0x17: {  	s4 =	simm.s32 $0x1BF5;
	[smem:$0x3FB5] =	sst s0  }
0x18: {  	s0 =	sld [smem:$0x3F98];
	_ =	swait.ge [sflag:s4], $0x0  }
0x19: {  	s7 =	sld [smem:$0x3F99]  }
0x1a: {  	s8 =	sadd.s32 $0xFFFFE003, lr  }
0x1b: {  	s9 =	sadd.s32 $0xFFFFFEF7, lr;
	s5 =	simm.s32 $0xFFFFFFFF;
	p2 =	slt.u32 s8, $0xFFFFF086  }
0x1c: {  	p1 =	slt.u32 s9, $0xF7A;
	s5 =	simm.s32 @!p2 $0x0  }
0x1d: {  	s5 =	simm.s32 @p1 $0x1;
	p0 =	seq.s32 s7, s2  }
0x1e: {  	s7 =	smul.u32 @!p0 $0xF7A, s2;
	p2 =	seq.s32 @!p0 s5, $0x0  }
0x1f: {  	s9 =	smul.u32 $0xF7A, s1;
	s8 =	simm.s32 @!p0 $0x1BF5;
	p2 =	por !p2, p0  }
0x20: {  	[sflag:s8] =	ssyncset.s32 @!p0 $0xFFFFF086;
	s6 =	sadd.s32 @!p0 s3, s7;
	s7 =	simm.s32 @!p0 $0x108  }
0x21: {  	s3 =	sadd.s32 s3, s9;
	s6 =	sadd.s32 @!p0 $0x88, s6;
	s7 =	simm.s32 @p2 $0x1082  }
0x22: {  	[simem:s7], [sflag:s8] =	dma.local @!p0 [hbm:s6], $0xF7A  }
0x23: {  	s9 =	sor.u32 $0xD0000000, s2;
	s6 =	simm.s32 $0x108;
	_ =	swait.ge @!p0 [sflag:s8], $0x0  }
0x24: {  	s3 =	sadd.s32 $0x88, s3;
	s6 =	simm.s32 @!p1 $0x1082;
	[sflag:s4] =	ssyncset.s32 $0xFFFFF086  }
0x25: {  	[simem:s6], [sflag:s4] =	dma.local [hbm:s3], $0xF7A  }
0x26: {  	[smem:$0x3F99] =	sst s1;
	(tag) =	ssettag s2;
	_ =	strace s9  }
0x27: {  	s1 =	sld [smem:$0x3FA9]  }
0x28: {  	s2 =	sld [smem:$0x3FAA]  }
0x29: {  	s4 =	sld [smem:$0x3FAC]  }
0x2a: {  	p0 =	seq.s32 s5, $0x0;
	s5 =	sld [smem:$0x3FAD]  }
0x2b: {  	s6 =	sld [smem:$0x3FAE]  }
0x2c: {  	s7 =	sld [smem:$0x3FAF]  }
0x2d: {  	s3 =	simm.s32 $0x108;
	s8 =	sld [smem:$0x3FB0]  }
0x2e: {  	s3 =	simm.s32 @!p0 $0x1082;
	s9 =	sld [smem:$0x3FB1]  }
0x2f: {  	lr =	sadd.s32 s0, s3;
	s0 =	sld [smem:$0x3FA8]  }
0x30: {  	s3 =	sld [smem:$0x3FAB]  }
0x31: {  	[smem:$0x3FB4] =	sst s10  }
0x32: {  	s10 =	sld [smem:$0x3FB2];
	_ =	sdelay $0x3  }
0x33: {  	p0 =	seq.s32 s10, $0x1;
	s10 =	sld [smem:$0x3FB4];
	_ =	sdelay $0x3  }
0x34: {  	[smem:$0x3FB4] =	sst s10  }
0x35: {  	s10 =	sld [smem:$0x3FB3];
	_ =	sdelay $0x3  }
0x36: {  	p1 =	seq.s32 s10, $0x1;
	s10 =	sld [smem:$0x3FB4];
	_ =	sdelay $0x3  }
0x37: {  	[smem:$0x3FB4] =	sst s10  }
0x38: {  	s10 =	sld [smem:$0x3FB5]  }
0x39: {  	_ = 	snop;
	(pc) =	sbr.ind lr, $3  }
0x3a: {  	_ = 	snop  }
0x3b: {  	_ = 	snop  }
0x3c: {  	p2 =	seq.s32 s10, $0x1;
	s10 =	sld [smem:$0x3FB4]  }
0x3d: {  	_ =	shalt  }
0x3e: {  	_ =	shalt  }
0x3f: {  	_ =	shalt  }
0x40: {  	_ =	shalt  }
0x41: {  	_ =	shalt  }
0x42: {  	_ =	shalt  }
0x43: {  	_ =	shalt  }
0x44: {  	_ =	shalt  }
0x45: {  	_ =	shalt  }
0x46: {  	_ =	shalt  }
0x47: {  	_ =	shalt  }
0x48: {  	_ =	shalt  }
0x49: {  	_ =	shalt  }
0x4a: {  	_ =	shalt  }
0x4b: {  	_ =	shalt  }
0x4c: {  	_ =	shalt  }
0x4d: {  	_ =	shalt  }
0x4e: {  	_ =	shalt  }
0x4f: {  	_ =	shalt  }
0x50: {  	_ =	shalt  }
0x51: {  	_ =	shalt  }
0x52: {  	_ =	shalt  }
0x53: {  	_ =	shalt  }
0x54: {  	_ =	shalt  }
0x55: {  	_ =	shalt  }
0x56: {  	_ =	shalt  }
0x57: {  	_ =	shalt  }
0x58: {  	_ =	shalt  }
0x59: {  	_ =	shalt  }
0x5a: {  	_ =	shalt  }
0x5b: {  	_ =	shalt  }
0x5c: {  	_ =	shalt  }
0x5d: {  	_ =	shalt  }
0x5e: {  	_ =	shalt  }
0x5f: {  	_ =	shalt  }
0x60: {  	_ =	shalt  }
0x61: {  	_ =	shalt  }
0x62: {  	_ =	shalt  }
0x63: {  	_ =	shalt  }
0x64: {  	_ =	shalt  }
0x65: {  	_ =	shalt  }
0x66: {  	_ =	shalt  }
0x67: {  	_ =	shalt  }
0x68: {  	_ =	shalt  }
0x69: {  	_ =	shalt  }
0x6a: {  	_ =	shalt  }
0x6b: {  	_ =	shalt  }
0x6c: {  	_ =	shalt  }
0x6d: {  	_ =	shalt  }
0x6e: {  	_ =	shalt  }
0x6f: {  	_ =	shalt  }
0x70: {  	_ =	shalt  }
0x71: {  	_ =	shalt  }
0x72: {  	_ =	shalt  }
0x73: {  	_ =	shalt  }
0x74: {  	_ =	shalt  }
0x75: {  	_ =	shalt  }
0x76: {  	_ =	shalt  }
0x77: {  	_ =	shalt  }
0x78: {  	_ =	shalt  }
0x79: {  	_ =	shalt  }
0x7a: {  	_ =	shalt  }
0x7b: {  	_ =	shalt  }
0x7c: {  	_ =	shalt  }
0x7d: {  	_ =	shalt  }
0x7e: {  	_ =	shalt  }
0x7f: {  	_ =	shalt  }
0x80: {  	_ =	shalt  }
0x81: {  	_ =	shalt  }
0x82: {  	_ =	shalt  }
0x83: {  	_ =	shalt  }
0x84: {  	_ =	shalt  }
0x85: {  	_ =	shalt  }
0x86: {  	_ =	shalt  }
0x87: {  	_ =	shalt  }
.Lfunc_end0:
.L_simem_size_0:
called_computation.2_lowered:
.L_overlay_start_0:
0x88: {  	s2 =	sld [smem:$0x3FD9]  }
0x89: {  	s3 =	sld [smem:$0x3FFE];
	_ =	sdelay $0x1  }
0x8a: {  	s1 =	srdreg.scid  }
0x8b: {  	s0 =	sand.u32 $0x1, s1  }
0x8c: {  	s17 =	sshll.u32 s0, $0xA;
	s2 =	sadd.s32 s3, s2  }
0x8d: {  	s2 =	sadd.s32 s2, s17  }
0x8e: {  	[smem:$0x3FC0] =	sst s2  }
0x8f: {  	_ = 	snop  }
0x90: {  	s2 =	sld [smem:$0x3FD0];
	(tm) =	ssettm $0x1  }
0x91: {  	s18 =	sld [smem:$0x3FFB];
	_ =	sdelay $0x3  }
0x92: {  	_ =	strace s18  }
0x93: {  	s3 =	sld [smem:$0x3FFC];
	_ =	sdelay $0x3  }
0x94: {  	_ =	strace s3  }
0x95: {  	s3 =	sld [smem:$0x3FFD];
	_ =	sdelay $0x3  }
0x96: {  	_ =	strace s3  }
0x97: {  	_ =	strace $0x8FFFFFFF  }
0x98: {  	s19 =	sld [smem:$0x3FDB];
	_ =	sdelay $0x1  }
0x99: {  	s4 =	simm.s32 $_scs_section_size  }
0x9a: {  	s5 =	simm.s32 $_size__tile_overlayer_lowered;
	s6 =	simm.s32 $_tile_overlayer_lowered  }
0x9b: {  	s22 =	simm.s32 $0x1BFF;
	s21 =	sshll.u32 s6, $0x1;
	s3 =	sadd.s32 s4, s19  }
0x9c: {  	s7 =	simm.s32 $0x0;
	s20 =	sshll.u32 s5, $0x1;
	s5 =	sadd.s32 s21, s3  }
0x9d: {  	[timem:s7], [sflag:s22] =	dma.local [hbm:s5], s20  }
0x9e: {  	_ =	swait.ge [sflag:s22], s20  }
0x9f: {  	s4 =	ssub.s32 $0x0, s20;
	[sflag:s22] =	ssyncset.done $0x0  }
0xa0: {  	[sflag:s22] =	ssyncadd.s32 s4;
	_ =	sdelay $0x1  }
0xa1: {  	s23 =	simm.s32 $0x1B8B  }
0xa2: {  	_ =	swait.ge [sflag:s23], $0x1  }
0xa3: {  	[sflag:s23] =	ssyncset.done $0x0  }
0xa4: {  	s25 =	simm.s32 $0x1B8E;
	s24 =	sld [smem:$0x3FFE];
	[sflag:s23] =	ssyncadd.s32 $0xFFFFFFFF  }
0xa5: {  	s26 =	simm.s32 $execute0_lowered;
	[smem:$0x3FD2] =	sst s25  }
0xa6: {  	s5 =	sshll.u32 s26, $0x1;
	_ =	strace $0x8000004C;
	[dreg:$0x1] =	wrdreg $0xFFFFFFFF  }
0xa7: {  	s28 =	simm.s32 $_size_execute0_lowered;
	s3 =	sadd.s32 s3, s5;
	[dreg:$0x0] =	wrdreg $0x0  }
0xa8: {  	s5 =	sshll.u32 s28, $0x1;
	[dreg:$0x2] =	wrdreg s3  }
0xa9: {  	[dreg:$0x3] =	wrdreg s5  }
0xaa: {  	[dreg:$0x4] =	wrdreg $0xC0  }
0xab: {  	_ =	task [dreg:s7], $0x5FFFF  }
0xac: {  	[dreg:$0x1] =	wrdreg $0xFFFFFFFF  }
0xad: {  	[dreg:$0x0] =	wrdreg $0x60  }
0xae: {  	[dreg:$0x2] =	wrdreg s2  }
0xaf: {  	[dreg:$0x3] =	wrdreg s24  }
0xb0: {  	[dreg:$0x4] =	wrdreg $0xB7800  }
0xb1: {  	[dreg:$0x5] =	wrdreg $0x9  }
0xb2: {  	_ =	task.clear_ibuf [dreg:s7], $0x6FFFF;
	_ =	strace $0x9000004C  }
0xb3: {  	s29 =	simm.s32 $0x9;
	_ =	strace $0x8000004E  }
0xb4: {  	_ =	swait.ge [sflag:s29], $0x1  }
0xb5: {  	[sflag:s29] =	ssyncadd.s32 $0xFFFFFFFF  }
0xb6: {  	_ =	strace $0x9000004E  }
0xb7: {  	_ =	sfence  }
0xb8: {  	s30 =	sld [smem:$0x0];
	_ =	sdelay $0x2  }
0xb9: {  	s31 =	sshll.u32 s1, $0xD;
	s1 =	sshrl.u32 s1, $0x2  }
0xba: {  	s3 =	sand.u32 $0x4000, s31;
	s1 =	sadd.s32 s1, s30  }
0xbb: {  	s0 =	sor.u32 s3, s0;
	s1 =	sshll.u32 s1, $0x11  }
0xbc: {  	s0 =	sor.u32 s1, s0  }
0xbd: {  	s0 =	sadd.s32 $0x8F2B, s0  }
0xbe: {  	[sflag:s0] =	ssyncadd.remote.s32 $0x1  }
0xbf: {  	_ =	sfence.sel $0xFFFF  }
0xc0: {  	[dreg:$0x0] =	wrdreg $0xFFFFFFFF;
	(pc) =	sbr.abs _section_cstart, $3  }
0xc1: {  	[dreg:$0x1] =	wrdreg $0xFFFFFFFF  }
0xc2: {  	_ =	task.clear_ibuf [dreg:s7], $0x2FFFF;
	_ =	strace $0x9FFFFFFF  }
0xc3: {  	(tm) =	ssettm $0x7FFFFFFF  }
tec
execute0_lowered:
.L_overlay_start_1:
0x0: {  	(tag) =	ssettag $0x1  }
0x1: {  	s1 =	rddreg [dreg:$0x0]  }
0x2: {  	s7 =	rddreg [dreg:$0x1]  }
0x3: {  	s0 =	srdreg.scid;
	s3 =	rddreg [dreg:$0x2];
	s4 =	simm.s32 $0x0  }
0x4: {  	s14 =	simm.s32 $0x50;
	s15 =	simm.s32 $0x6780;
	s16 =	simm.s32 $0x8F80  }
0x5: {  	s17 =	simm.s32 $0x1;
	s18 =	simm.s32 $0x2;
	s6 =	sand.u32 $0x1, s0  }
0x6: {  	s19 =	simm.s32 $0x6580;
	s0 =	stileid.u32;
	s9 =	smul.u32 $0x140000, s6  }
0x7: {  	s20 =	simm.s32 $0x0;
	[smem:$0x7FF] =	sst s4;
	s10 =	smul.u32 $0x14000, s0  }
0x8: {  	s2 =	sshll.u32 s6, $0x4;
	s29 =	smul.u32 $0x50000, s0;
	s6 =	ssub.s32 $0x2, s6  }
0x9: {  	s31 =	sshll.u32 s0, $0x6;
	s5 =	sor.u32 s0, s2;
	s2 =	rddreg [dreg:$0x3]  }
0xa: {  	_ =	strace $0x8000004D;
	s30 =	sshrl.u32 s6, $0x1;
	s8 =	smul.u32 $0x4E2, s5  }
0xb: {  	s5 =	sshll.u32 s5, $0xB;
	s9 =	sadd.s32 s10, s9;
	s10 =	sshrl.u32 s29, $0x2  }
0xc: {  	s12 =	ssub.s32 s6, s30;
	s6 =	sor.u32 $0x1C03, s31;
	s11 =	sadd.s32 s5, s7  }
0xd: {  	s5 =	sadd.s32 $0x1D600, s7;
	s9 =	sshrl.u32 s9, $0x3;
	s13 =	sadd.s32 s10, s3  }
0xe: {  	s10 =	smax.u32 s12, $0x1;
	s12 =	simm.s32 $0x3;
	s8 =	sadd.s32 s8, s7  }
0xf: {  	s9 =	sadd.s32 s9, s7;
	s7 =	sadd.s32 $0x3800, s8;
	s8 =	sadd.s32 $0xD600, s11  }
0x10: {  	s9 =	sadd.s32 $0x6E200, s9;
	s11 =	sshrl.u32 s13, $0x3;
	s13 =	simm.s32 $0x2780  }
.LBB2_1:
0x11: {  	[spmem:s11], [sflag:s6] =	dma.local [hbm:s5], $0x2800  }
0x12: {  	_ =	swait.ge [sflag:s12], $0x2800  }
0x13: {  	[sflag:s12] =	ssyncset.done $0x0  }
0x14: {  	[sflag:s12] =	ssyncadd.s32 $0xFFFFD800  }
0x15: {  	[tilespmem:s4], [sflag:$0x3] =	stream.linear.gather [hbm4b:s7+s4], $0x2710, $0x38;
	[tilespmem:$0x1F780] =	vst v63  }
0x16: {  	_ =	swait.ge [sflag:s12], $0x2710  }
0x17: {  	[sflag:s12] =	ssyncset.done $0x0  }
0x18: {  	[sflag:s12] =	ssyncadd.s32 $0xFFFFD8F0  }
0x19: {  	[tilespmem:s13], [sflag:$0x3] =	stream.linear.gather [hbm4b:s8+s4], $0x3E80, $0x38;
	[tilespmem:$0x1F780] =	vst v63  }
0x1a: {  	_ =	swait.ge [sflag:s12], $0x3E80  }
0x1b: {  	[sflag:s12] =	ssyncset.done $0x0  }
0x1c: {  	[sflag:s12] =	ssyncadd.s32 $0xFFFFC180  }
0x1d: {  	[bflag:$0x0] =	sbarrier.arrive $0xFFFF  }
0x1e: {  	[tilespmem:s15], [sflag:$0x1] =	stream.indirect.gather [hbm4b:s1+s14], $0x80, s4, s14, $0xb8;
	[tilespmem:$0x1F780] =	vst v63  }
0x1f: {  	s21 =	simm.s32 $0x50  }
0x20: {  	[tilespmem:s16], [sflag:$0x2] =	stream.indirect.gather [hbm4b:s1+s14], $0x80, s21, s14, $0xb8;
	[tilespmem:$0x1F780] =	vst v63  }
0x21: {  	_ =	swait.ge [sflag:s17], $0x2800  }
0x22: {  	[sflag:s17] =	ssyncset.done $0x0  }
0x23: {  	s29 =	simm.s32 $0x2780;
	[sflag:s17] =	ssyncadd.s32 $0xFFFFD800  }
0x24: {  	[spmem:s3] =	stream.indirect.scatter.add.f32 [tilespmem:s15], [sflag:$0x3], $0x80, s29, s14, $0xb8;
	[tilespmem:$0x1F780] =	vst v63  }
0x25: {  	_ =	swait.ge [sflag:s12], $0x2800  }
0x26: {  	[sflag:s12] =	ssyncset.done $0x0  }
0x27: {  	s30 =	simm.s32 $0xA0;
	[sflag:s12] =	ssyncadd.s32 $0xFFFFD800  }
0x28: {  	[tilespmem:s15], [sflag:$0x1] =	stream.indirect.gather [hbm4b:s1+s14], $0x80, s30, s14, $0xb8;
	[tilespmem:$0x1F780] =	vst v63  }
0x29: {  	_ =	swait.ge [sflag:s18], $0x2800  }
0x2a: {  	[sflag:s18] =	ssyncset.done $0x0  }
0x2b: {  	s31 =	simm.s32 $0x2800;
	[sflag:s18] =	ssyncadd.s32 $0xFFFFD800  }
0x2c: {  	[spmem:s3] =	stream.indirect.scatter.add.f32 [tilespmem:s16], [sflag:$0x3], $0x80, s31, s14, $0xb8;
	[tilespmem:$0x1F780] =	vst v63  }
0x2d: {  	s22 =	simm.s32 $0x400;
	_ =	swait.ge [sflag:s12], $0x2800  }
0x2e: {  	s23 =	simm.s32 $0x800;
	s21 =	simm.s32 $0x140;
	[sflag:s12] =	ssyncset.done $0x0  }
.LBB2_2:
0x2f: {  	p0 =	sne.s32 s23, $0xF400;
	s24 =	sadd.s32 $0xFFFFFFB0, s21;
	[sflag:s12] =	ssyncadd.s32 $0xFFFFD800  }
0x30: {  	[tilespmem:s16], [sflag:$0x2] =	stream.indirect.gather [hbm4b:s1+s14], $0x80, s24, s14, $0xb8;
	[tilespmem:$0x1F780] =	vst v63  }
0x31: {  	s24 =	smov.u32 s23;
	s23 =	sadd.s32 $0x400, s23;
	_ =	swait.ge [sflag:s17], $0x2800  }
0x32: {  	s25 =	sshra.s32 s22, $0x2;
	s22 =	smov.u32 s24;
	[sflag:s17] =	ssyncset.done $0x0  }
0x33: {  	s24 =	sadd.s32 $0x2780, s25;
	[sflag:s17] =	ssyncadd.s32 $0xFFFFD800  }
0x34: {  	[spmem:s3] =	stream.indirect.scatter.add.f32 [tilespmem:s15], [sflag:$0x3], $0x80, s24, s14, $0xb8;
	[tilespmem:$0x1F780] =	vst v63  }
0x35: {  	_ =	swait.ge [sflag:s12], $0x2800  }
0x36: {  	[sflag:s12] =	ssyncset.done $0x0  }
0x37: {  	[sflag:s12] =	ssyncadd.s32 $0xFFFFD800  }
0x38: {  	[tilespmem:s15], [sflag:$0x1] =	stream.indirect.gather [hbm4b:s1+s14], $0x80, s21, s14, $0xb8;
	[tilespmem:$0x1F780] =	vst v63  }
0x39: {  	_ =	swait.ge [sflag:s18], $0x2800  }
.Ltmp0:
0x3a: {  	[sflag:s18] =	ssyncset.done $0x0;
	(pc) =	sbr.rel @p0 .LBB2_2-.Ltmp0, $4  }
0x3b: {  	s24 =	sadd.s32 $0x2800, s25;
	[sflag:s18] =	ssyncadd.s32 $0xFFFFD800  }
0x3c: {  	[spmem:s3] =	stream.indirect.scatter.add.f32 [tilespmem:s16], [sflag:$0x3], $0x80, s24, s14, $0xb8;
	[tilespmem:$0x1F780] =	vst v63  }
0x3d: {  	_ =	swait.ge [sflag:s12], $0x2800  }
0x3e: {  	s21 =	sadd.s32 $0xA0, s21;
	[sflag:s12] =	ssyncset.done $0x0  }
0x3f: {  	s23 =	sadd.s32 $0xFFFFFFB0, s21;
	[sflag:s12] =	ssyncadd.s32 $0xFFFFD800  }
0x40: {  	[tilespmem:s16], [sflag:$0x2] =	stream.indirect.gather [hbm4b:s1+s14], $0x80, s23, s14, $0xb8;
	[tilespmem:$0x1F780] =	vst v63  }
0x41: {  	_ =	swait.ge [sflag:s17], $0x2800  }
0x42: {  	s22 =	sshra.s32 s22, $0x2;
	[sflag:s17] =	ssyncset.done $0x0  }
0x43: {  	s30 =	sadd.s32 $0x2780, s22;
	[sflag:s17] =	ssyncadd.s32 $0xFFFFD800  }
0x44: {  	[spmem:s3] =	stream.indirect.scatter.add.f32 [tilespmem:s15], [sflag:$0x3], $0x80, s30, s14, $0xb8;
	[tilespmem:$0x1F780] =	vst v63  }
0x45: {  	_ =	swait.ge [sflag:s12], $0x2800  }
0x46: {  	[sflag:s12] =	ssyncset.done $0x0  }
0x47: {  	[sflag:s12] =	ssyncadd.s32 $0xFFFFD800  }
0x48: {  	[tilespmem:s15], [sflag:$0x1] =	stream.indirect.gather [hbm4b:s1+s14], $0x80, s21, s14, $0xb8;
	[tilespmem:$0x1F780] =	vst v63  }
0x49: {  	_ =	swait.ge [sflag:s18], $0x2800  }
0x4a: {  	[sflag:s18] =	ssyncset.done $0x0  }
0x4b: {  	s31 =	sadd.s32 $0x2800, s22;
	[sflag:s18] =	ssyncadd.s32 $0xFFFFD800  }
0x4c: {  	[spmem:s3] =	stream.indirect.scatter.add.f32 [tilespmem:s16], [sflag:$0x3], $0x80, s31, s14, $0xb8;
	[tilespmem:$0x1F780] =	vst v63  }
0x4d: {  	_ =	swait.ge [sflag:s12], $0x2800  }
0x4e: {  	[sflag:s12] =	ssyncset.done $0x0  }
0x4f: {  	[sflag:s12] =	ssyncadd.s32 $0xFFFFD800  }
0x50: {  	_ =	swait.ge [sflag:s17], $0x2800  }
0x51: {  	[sflag:s17] =	ssyncset.done $0x0  }
0x52: {  	[sflag:s17] =	ssyncadd.s32 $0xFFFFD800  }
0x53: {  	[spmem:s3] =	stream.indirect.scatter.add.f32 [tilespmem:s15], [sflag:$0x3], $0x80, s19, s14, $0xb8;
	[tilespmem:$0x1F780] =	vst v63  }
0x54: {  	_ =	swait.ge [sflag:s12], $0x2800  }
0x55: {  	s20 =	sadd.s32 $0x1, s20;
	[sflag:s12] =	ssyncset.done $0x0  }
0x56: {  	p0 =	sne.s32 s20, s10;
	[sflag:s12] =	ssyncadd.s32 $0xFFFFD800  }
.Ltmp1:
0x57: {  	[bflag:$0x0] =	sbarrier.arrive $0xFFFF;
	(pc) =	sbr.rel @p0 .LBB2_1-.Ltmp1, $4  }
0x58: {  	[hbm:s9], [sflag:s6] =	dma.local [spmem:s11], $0x2800  }
0x59: {  	_ =	swait.ge [sflag:s12], $0x2800  }
0x5a: {  	[sflag:s12] =	ssyncset.done $0x0  }
0x5b: {  	[sflag:s12] =	ssyncadd.s32 $0xFFFFD800  }
0x5c: {  	_ =	sfence.sel $0x180000  }
0x5d: {  	[bflag:$0x0] =	sbarrier.arrive $0xFFFF  }
0x5e: {  	p0 =	sne.s32 s0, $0x0;
	_ =	strace $0x9000004D  }
0x5f: {  	s0 =	sadd.s32 @!p0 $0x100000, s2;
	[bflag:$0x2] =	sbarrier.arrive $0xFFFF  }
0x60: {  	[sflag:s0] =	ssyncadd.tile.s32 @!p0 $0x1;
	_ =	shalt  }
.Lfunc_end2:
_tile_overlayer_lowered:
.L_overlay_start_2:
0x61: {  	(tag) =	ssettag $0x2  }
0x62: {  	s0 =	rddreg [dreg:$0x0];
	s2 =	stileid.u32  }
0x63: {  	s1 =	rddreg [dreg:$0x1];
	p0 =	sne.s32 s2, $0x0  }
0x64: {  	s3 =	rddreg [dreg:$0x2];
	[bflag:$0x3] =	sbarrier.arrive $0xFFFF;
	s2 =	simm.s32 @!p0 $0x1C03  }
0x65: {  	[timem:s3], [sflag:s2] =	dma.local @!p0 [hbm:s0], s1  }
0x66: {  	s0 =	simm.s32 @!p0 $0x3  }
0x67: {  	_ =	swait.ge @!p0 [sflag:s0], s1  }
0x68: {  	s1 =	ssub.s32 @!p0 $0x0, s1;
	[sflag:s0] =	ssyncset.done @!p0 $0x0  }
0x69: {  	[sflag:s0] =	ssyncadd.s32 @!p0 s1  }
0x6a: {  	[bflag:$0x3] =	sbarrier.arrive $0xFFFF  }
0x6b: {  	_ =	shalt  }

// kernel: kernel.19.cloned.1.call-start
scs
__scs_entry_jumppad:
0x0: {  	(pc) =	sbr.rel $0x88, $3  }
0x1: {  	(tag) =	ssettag $0x0;
	lr =	simm.s32 $0x1  }
0x2: {  	[smem:$0x3F99] =	sst lr;
	_ =	strace $0xD0000000  }
0x3: {  	_ = 	snop  }
0x4: {  	_ = 	snop  }
0x5: {  	_ = 	snop  }
0x6: {  	_ = 	snop  }
0x7: {  	_ = 	snop  }
__scs_overlays_trampoline_lowered:
0x8: {  	[smem:$0x3FA8] =	sst s0  }
0x9: {  	[smem:$0x3FA9] =	sst s1  }
0xa: {  	[smem:$0x3FAA] =	sst s2  }
0xb: {  	[smem:$0x3FAB] =	sst s3  }
0xc: {  	[smem:$0x3FAC] =	sst s4  }
0xd: {  	[smem:$0x3FAD] =	sst s5  }
0xe: {  	[smem:$0x3FAE] =	sst s6  }
0xf: {  	[smem:$0x3FAF] =	sst s7  }
0x10: {  	[smem:$0x3FB0] =	sst s8  }
0x11: {  	[smem:$0x3FB1] =	sst s9;
	s0 =	simm.s32 @!p0 $0x0  }
0x12: {  	s1 =	sld [smem:$0x3F97];
	s0 =	simm.s32 @p0 $0x1  }
0x13: {  	[smem:$0x3FB2] =	sst s0;
	s0 =	simm.s32 @!p1 $0x0  }
0x14: {  	s2 =	sld [smem:$0x3F96];
	s0 =	simm.s32 @p1 $0x1  }
0x15: {  	[smem:$0x3FB3] =	sst s0;
	s0 =	simm.s32 @!p2 $0x0  }
0x16: {  	s3 =	sld [smem:$0x3FDB];
	s0 =	simm.s32 @p2 $0x1  }
0x17: {  	s4 =	simm.s32 $0x1BF5;
	[smem:$0x3FB5] =	sst s0  }
0x18: {  	s0 =	sld [smem:$0x3F98];
	_ =	swait.ge [sflag:s4], $0x0  }
0x19: {  	s7 =	sld [smem:$0x3F99]  }
0x1a: {  	s8 =	sadd.s32 $0xFFFFE003, lr  }
0x1b: {  	s9 =	sadd.s32 $0xFFFFFEF7, lr;
	s5 =	simm.s32 $0xFFFFFFFF;
	p2 =	slt.u32 s8, $0xFFFFF086  }
0x1c: {  	p1 =	slt.u32 s9, $0xF7A;
	s5 =	simm.s32 @!p2 $0x0  }
0x1d: {  	s5 =	simm.s32 @p1 $0x1;
	p0 =	seq.s32 s7, s2  }
0x1e: {  	s7 =	smul.u32 @!p0 $0xF7A, s2;
	p2 =	seq.s32 @!p0 s5, $0x0  }
0x1f: {  	s9 =	smul.u32 $0xF7A, s1;
	s8 =	simm.s32 @!p0 $0x1BF5;
	p2 =	por !p2, p0  }
0x20: {  	[sflag:s8] =	ssyncset.s32 @!p0 $0xFFFFF086;
	s6 =	sadd.s32 @!p0 s3, s7;
	s7 =	simm.s32 @!p0 $0x108  }
0x21: {  	s3 =	sadd.s32 s3, s9;
	s6 =	sadd.s32 @!p0 $0x88, s6;
	s7 =	simm.s32 @p2 $0x1082  }
0x22: {  	[simem:s7], [sflag:s8] =	dma.local @!p0 [hbm:s6], $0xF7A  }
0x23: {  	s9 =	sor.u32 $0xD0000000, s2;
	s6 =	simm.s32 $0x108;
	_ =	swait.ge @!p0 [sflag:s8], $0x0  }
0x24: {  	s3 =	sadd.s32 $0x88, s3;
	s6 =	simm.s32 @!p1 $0x1082;
	[sflag:s4] =	ssyncset.s32 $0xFFFFF086  }
0x25: {  	[simem:s6], [sflag:s4] =	dma.local [hbm:s3], $0xF7A  }
0x26: {  	[smem:$0x3F99] =	sst s1;
	(tag) =	ssettag s2;
	_ =	strace s9  }
0x27: {  	s1 =	sld [smem:$0x3FA9]  }
0x28: {  	s2 =	sld [smem:$0x3FAA]  }
0x29: {  	s4 =	sld [smem:$0x3FAC]  }
0x2a: {  	p0 =	seq.s32 s5, $0x0;
	s5 =	sld [smem:$0x3FAD]  }
0x2b: {  	s6 =	sld [smem:$0x3FAE]  }
0x2c: {  	s7 =	sld [smem:$0x3FAF]  }
0x2d: {  	s3 =	simm.s32 $0x108;
	s8 =	sld [smem:$0x3FB0]  }
0x2e: {  	s3 =	simm.s32 @!p0 $0x1082;
	s9 =	sld [smem:$0x3FB1]  }
0x2f: {  	lr =	sadd.s32 s0, s3;
	s0 =	sld [smem:$0x3FA8]  }
0x30: {  	s3 =	sld [smem:$0x3FAB]  }
0x31: {  	[smem:$0x3FB4] =	sst s10  }
0x32: {  	s10 =	sld [smem:$0x3FB2];
	_ =	sdelay $0x3  }
0x33: {  	p0 =	seq.s32 s10, $0x1;
	s10 =	sld [smem:$0x3FB4];
	_ =	sdelay $0x3  }
0x34: {  	[smem:$0x3FB4] =	sst s10  }
0x35: {  	s10 =	sld [smem:$0x3FB3];
	_ =	sdelay $0x3  }
0x36: {  	p1 =	seq.s32 s10, $0x1;
	s10 =	sld [smem:$0x3FB4];
	_ =	sdelay $0x3  }
0x37: {  	[smem:$0x3FB4] =	sst s10  }
0x38: {  	s10 =	sld [smem:$0x3FB5]  }
0x39: {  	_ = 	snop;
	(pc) =	sbr.ind lr, $3  }
0x3a: {  	_ = 	snop  }
0x3b: {  	_ = 	snop  }
0x3c: {  	p2 =	seq.s32 s10, $0x1;
	s10 =	sld [smem:$0x3FB4]  }
0x3d: {  	_ =	shalt  }
0x3e: {  	_ =	shalt  }
0x3f: {  	_ =	shalt  }
0x40: {  	_ =	shalt  }
0x41: {  	_ =	shalt  }
0x42: {  	_ =	shalt  }
0x43: {  	_ =	shalt  }
0x44: {  	_ =	shalt  }
0x45: {  	_ =	shalt  }
0x46: {  	_ =	shalt  }
0x47: {  	_ =	shalt  }
0x48: {  	_ =	shalt  }
0x49: {  	_ =	shalt  }
0x4a: {  	_ =	shalt  }
0x4b: {  	_ =	shalt  }
0x4c: {  	_ =	shalt  }
0x4d: {  	_ =	shalt  }
0x4e: {  	_ =	shalt  }
0x4f: {  	_ =	shalt  }
0x50: {  	_ =	shalt  }
0x51: {  	_ =	shalt  }
0x52: {  	_ =	shalt  }
0x53: {  	_ =	shalt  }
0x54: {  	_ =	shalt  }
0x55: {  	_ =	shalt  }
0x56: {  	_ =	shalt  }
0x57: {  	_ =	shalt  }
0x58: {  	_ =	shalt  }
0x59: {  	_ =	shalt  }
0x5a: {  	_ =	shalt  }
0x5b: {  	_ =	shalt  }
0x5c: {  	_ =	shalt  }
0x5d: {  	_ =	shalt  }
0x5e: {  	_ =	shalt  }
0x5f: {  	_ =	shalt  }
0x60: {  	_ =	shalt  }
0x61: {  	_ =	shalt  }
0x62: {  	_ =	shalt  }
0x63: {  	_ =	shalt  }
0x64: {  	_ =	shalt  }
0x65: {  	_ =	shalt  }
0x66: {  	_ =	shalt  }
0x67: {  	_ =	shalt  }
0x68: {  	_ =	shalt  }
0x69: {  	_ =	shalt  }
0x6a: {  	_ =	shalt  }
0x6b: {  	_ =	shalt  }
0x6c: {  	_ =	shalt  }
0x6d: {  	_ =	shalt  }
0x6e: {  	_ =	shalt  }
0x6f: {  	_ =	shalt  }
0x70: {  	_ =	shalt  }
0x71: {  	_ =	shalt  }
0x72: {  	_ =	shalt  }
0x73: {  	_ =	shalt  }
0x74: {  	_ =	shalt  }
0x75: {  	_ =	shalt  }
0x76: {  	_ =	shalt  }
0x77: {  	_ =	shalt  }
0x78: {  	_ =	shalt  }
0x79: {  	_ =	shalt  }
0x7a: {  	_ =	shalt  }
0x7b: {  	_ =	shalt  }
0x7c: {  	_ =	shalt  }
0x7d: {  	_ =	shalt  }
0x7e: {  	_ =	shalt  }
0x7f: {  	_ =	shalt  }
0x80: {  	_ =	shalt  }
0x81: {  	_ =	shalt  }
0x82: {  	_ =	shalt  }
0x83: {  	_ =	shalt  }
0x84: {  	_ =	shalt  }
0x85: {  	_ =	shalt  }
0x86: {  	_ =	shalt  }
0x87: {  	_ =	shalt  }
.Lfunc_end0:
.L_simem_size_0:
called_computation.3_lowered:
.L_overlay_start_0:
0x88: {  	s2 =	sld [smem:$0x3FD9]  }
0x89: {  	s3 =	sld [smem:$0x3FFE];
	_ =	sdelay $0x1  }
0x8a: {  	s1 =	srdreg.scid  }
0x8b: {  	s0 =	sand.u32 $0x1, s1  }
0x8c: {  	s17 =	sshll.u32 s0, $0xA;
	s2 =	sadd.s32 s3, s2  }
0x8d: {  	s2 =	sadd.s32 s2, s17  }
0x8e: {  	[smem:$0x3FC0] =	sst s2  }
0x8f: {  	_ = 	snop  }
0x90: {  	s2 =	sld [smem:$0x3FD0];
	(tm) =	ssettm $0x1  }
0x91: {  	s18 =	sld [smem:$0x3FFB];
	_ =	sdelay $0x3  }
0x92: {  	_ =	strace s18  }
0x93: {  	s3 =	sld [smem:$0x3FFC];
	_ =	sdelay $0x3  }
0x94: {  	_ =	strace s3  }
0x95: {  	s3 =	sld [smem:$0x3FFD];
	_ =	sdelay $0x3  }
0x96: {  	_ =	strace s3  }
0x97: {  	_ =	strace $0x8FFFFFFF  }
0x98: {  	s19 =	sld [smem:$0x3FDB];
	_ =	sdelay $0x1  }
0x99: {  	s4 =	simm.s32 $_scs_section_size  }
0x9a: {  	s5 =	simm.s32 $_size__tile_overlayer_lowered;
	s6 =	simm.s32 $_tile_overlayer_lowered  }
0x9b: {  	s22 =	simm.s32 $0x1BFF;
	s21 =	sshll.u32 s6, $0x1;
	s3 =	sadd.s32 s4, s19  }
0x9c: {  	s7 =	simm.s32 $0x0;
	s20 =	sshll.u32 s5, $0x1;
	s5 =	sadd.s32 s21, s3  }
0x9d: {  	[timem:s7], [sflag:s22] =	dma.local [hbm:s5], s20  }
0x9e: {  	_ =	swait.ge [sflag:s22], s20  }
0x9f: {  	s4 =	ssub.s32 $0x0, s20;
	[sflag:s22] =	ssyncset.done $0x0  }
0xa0: {  	[sflag:s22] =	ssyncadd.s32 s4;
	_ =	sdelay $0x1  }
0xa1: {  	s23 =	simm.s32 $0x1B8B  }
0xa2: {  	_ =	swait.ge [sflag:s23], $0x1  }
0xa3: {  	[sflag:s23] =	ssyncset.done $0x0  }
0xa4: {  	s25 =	simm.s32 $0x1B8E;
	s24 =	sld [smem:$0x3FFE];
	[sflag:s23] =	ssyncadd.s32 $0xFFFFFFFF  }
0xa5: {  	s26 =	simm.s32 $execute0_lowered;
	[smem:$0x3FD2] =	sst s25  }
0xa6: {  	s5 =	sshll.u32 s26, $0x1;
	_ =	strace $0x8000004F;
	[dreg:$0x1] =	wrdreg $0xFFFFFFFF  }
0xa7: {  	s28 =	simm.s32 $_size_execute0_lowered;
	s3 =	sadd.s32 s3, s5;
	[dreg:$0x0] =	wrdreg $0x0  }
0xa8: {  	s5 =	sshll.u32 s28, $0x1;
	[dreg:$0x2] =	wrdreg s3  }
0xa9: {  	[dreg:$0x3] =	wrdreg s5  }
0xaa: {  	[dreg:$0x4] =	wrdreg $0xC0  }
0xab: {  	_ =	task [dreg:s7], $0x5FFFF  }
0xac: {  	[dreg:$0x1] =	wrdreg $0xFFFFFFFF  }
0xad: {  	[dreg:$0x0] =	wrdreg $0x60  }
0xae: {  	[dreg:$0x2] =	wrdreg s2  }
0xaf: {  	[dreg:$0x3] =	wrdreg s24  }
0xb0: {  	[dreg:$0x4] =	wrdreg $0xB7800  }
0xb1: {  	[dreg:$0x5] =	wrdreg $0x9  }
0xb2: {  	_ =	task.clear_ibuf [dreg:s7], $0x6FFFF;
	_ =	strace $0x9000004F  }
0xb3: {  	s29 =	simm.s32 $0x9;
	_ =	strace $0x80000051  }
0xb4: {  	_ =	swait.ge [sflag:s29], $0x1  }
0xb5: {  	[sflag:s29] =	ssyncadd.s32 $0xFFFFFFFF  }
0xb6: {  	_ =	strace $0x90000051  }
0xb7: {  	_ =	sfence  }
0xb8: {  	s30 =	sld [smem:$0x0];
	_ =	sdelay $0x2  }
0xb9: {  	s31 =	sshll.u32 s1, $0xD;
	s1 =	sshrl.u32 s1, $0x2  }
0xba: {  	s3 =	sand.u32 $0x4000, s31;
	s1 =	sadd.s32 s1, s30  }
0xbb: {  	s0 =	sor.u32 s3, s0;
	s1 =	sshll.u32 s1, $0x11  }
0xbc: {  	s0 =	sor.u32 s1, s0  }
0xbd: {  	s0 =	sadd.s32 $0x8F2B, s0  }
0xbe: {  	[sflag:s0] =	ssyncadd.remote.s32 $0x1  }
0xbf: {  	_ =	sfence.sel $0xFFFF  }
0xc0: {  	[dreg:$0x0] =	wrdreg $0xFFFFFFFF;
	(pc) =	sbr.abs _section_cstart, $3  }
0xc1: {  	[dreg:$0x1] =	wrdreg $0xFFFFFFFF  }
0xc2: {  	_ =	task.clear_ibuf [dreg:s7], $0x2FFFF;
	_ =	strace $0x9FFFFFFF  }
0xc3: {  	(tm) =	ssettm $0x7FFFFFFF  }
tec
execute0_lowered:
.L_overlay_start_1:
0x0: {  	(tag) =	ssettag $0x1  }
0x1: {  	s1 =	rddreg [dreg:$0x0]  }
0x2: {  	s7 =	rddreg [dreg:$0x1]  }
0x3: {  	s0 =	srdreg.scid;
	s3 =	rddreg [dreg:$0x2];
	s4 =	simm.s32 $0x0  }
0x4: {  	s14 =	simm.s32 $0x50;
	s15 =	simm.s32 $0x6780;
	s16 =	simm.s32 $0x8F80  }
0x5: {  	s17 =	simm.s32 $0x1;
	s18 =	simm.s32 $0x2;
	s6 =	sand.u32 $0x1, s0  }
0x6: {  	s19 =	simm.s32 $0x6580;
	s0 =	stileid.u32;
	s9 =	smul.u32 $0x140000, s6  }
0x7: {  	s20 =	simm.s32 $0x0;
	[smem:$0x7FF] =	sst s4;
	s10 =	smul.u32 $0x14000, s0  }
0x8: {  	s2 =	sshll.u32 s6, $0x4;
	s29 =	smul.u32 $0x50000, s0;
	s6 =	ssub.s32 $0x2, s6  }
0x9: {  	s31 =	sshll.u32 s0, $0x6;
	s5 =	sor.u32 s0, s2;
	s2 =	rddreg [dreg:$0x3]  }
0xa: {  	_ =	strace $0x80000050;
	s30 =	sshrl.u32 s6, $0x1;
	s8 =	smul.u32 $0x4E2, s5  }
0xb: {  	s5 =	sshll.u32 s5, $0xB;
	s9 =	sadd.s32 s10, s9;
	s10 =	sshrl.u32 s29, $0x2  }
0xc: {  	s12 =	ssub.s32 s6, s30;
	s6 =	sor.u32 $0x1C03, s31;
	s11 =	sadd.s32 s5, s7  }
0xd: {  	s5 =	sadd.s32 $0x1D600, s7;
	s9 =	sshrl.u32 s9, $0x3;
	s13 =	sadd.s32 s10, s3  }
0xe: {  	s10 =	smax.u32 s12, $0x1;
	s12 =	simm.s32 $0x3;
	s8 =	sadd.s32 s8, s7  }
0xf: {  	s9 =	sadd.s32 s9, s7;
	s7 =	sadd.s32 $0x3800, s8;
	s8 =	sadd.s32 $0xD600, s11  }
0x10: {  	s9 =	sadd.s32 $0x6E200, s9;
	s11 =	sshrl.u32 s13, $0x3;
	s13 =	simm.s32 $0x2780  }
.LBB2_1:
0x11: {  	[spmem:s11], [sflag:s6] =	dma.local [hbm:s5], $0x2800  }
0x12: {  	_ =	swait.ge [sflag:s12], $0x2800  }
0x13: {  	[sflag:s12] =	ssyncset.done $0x0  }
0x14: {  	[sflag:s12] =	ssyncadd.s32 $0xFFFFD800  }
0x15: {  	[tilespmem:s4], [sflag:$0x3] =	stream.linear.gather [hbm4b:s7+s4], $0x2710, $0x38;
	[tilespmem:$0x1F780] =	vst v63  }
0x16: {  	_ =	swait.ge [sflag:s12], $0x2710  }
0x17: {  	[sflag:s12] =	ssyncset.done $0x0  }
0x18: {  	[sflag:s12] =	ssyncadd.s32 $0xFFFFD8F0  }
0x19: {  	[tilespmem:s13], [sflag:$0x3] =	stream.linear.gather [hbm4b:s8+s4], $0x3E80, $0x38;
	[tilespmem:$0x1F780] =	vst v63  }
0x1a: {  	_ =	swait.ge [sflag:s12], $0x3E80  }
0x1b: {  	[sflag:s12] =	ssyncset.done $0x0  }
0x1c: {  	[sflag:s12] =	ssyncadd.s32 $0xFFFFC180  }
0x1d: {  	[bflag:$0x0] =	sbarrier.arrive $0xFFFF  }
0x1e: {  	[tilespmem:s15], [sflag:$0x1] =	stream.indirect.gather [hbm4b:s1+s14], $0x80, s4, s14, $0xb8;
	[tilespmem:$0x1F780] =	vst v63  }
0x1f: {  	s21 =	simm.s32 $0x50  }
0x20: {  	[tilespmem:s16], [sflag:$0x2] =	stream.indirect.gather [hbm4b:s1+s14], $0x80, s21, s14, $0xb8;
	[tilespmem:$0x1F780] =	vst v63  }
0x21: {  	_ =	swait.ge [sflag:s17], $0x2800  }
0x22: {  	[sflag:s17] =	ssyncset.done $0x0  }
0x23: {  	s29 =	simm.s32 $0x2780;
	[sflag:s17] =	ssyncadd.s32 $0xFFFFD800  }
0x24: {  	[spmem:s3] =	stream.indirect.scatter.add.f32 [tilespmem:s15], [sflag:$0x3], $0x80, s29, s14, $0xb8;
	[tilespmem:$0x1F780] =	vst v63  }
0x25: {  	_ =	swait.ge [sflag:s12], $0x2800  }
0x26: {  	[sflag:s12] =	ssyncset.done $0x0  }
0x27: {  	s30 =	simm.s32 $0xA0;
	[sflag:s12] =	ssyncadd.s32 $0xFFFFD800  }
0x28: {  	[tilespmem:s15], [sflag:$0x1] =	stream.indirect.gather [hbm4b:s1+s14], $0x80, s30, s14, $0xb8;
	[tilespmem:$0x1F780] =	vst v63  }
0x29: {  	_ =	swait.ge [sflag:s18], $0x2800  }
0x2a: {  	[sflag:s18] =	ssyncset.done $0x0  }
0x2b: {  	s31 =	simm.s32 $0x2800;
	[sflag:s18] =	ssyncadd.s32 $0xFFFFD800  }
0x2c: {  	[spmem:s3] =	stream.indirect.scatter.add.f32 [tilespmem:s16], [sflag:$0x3], $0x80, s31, s14, $0xb8;
	[tilespmem:$0x1F780] =	vst v63  }
0x2d: {  	s22 =	simm.s32 $0x400;
	_ =	swait.ge [sflag:s12], $0x2800  }
0x2e: {  	s23 =	simm.s32 $0x800;
	s21 =	simm.s32 $0x140;
	[sflag:s12] =	ssyncset.done $0x0  }
.LBB2_2:
0x2f: {  	p0 =	sne.s32 s23, $0xF400;
	s24 =	sadd.s32 $0xFFFFFFB0, s21;
	[sflag:s12] =	ssyncadd.s32 $0xFFFFD800  }
0x30: {  	[tilespmem:s16], [sflag:$0x2] =	stream.indirect.gather [hbm4b:s1+s14], $0x80, s24, s14, $0xb8;
	[tilespmem:$0x1F780] =	vst v63  }
0x31: {  	s24 =	smov.u32 s23;
	s23 =	sadd.s32 $0x400, s23;
	_ =	swait.ge [sflag:s17], $0x2800  }
0x32: {  	s25 =	sshra.s32 s22, $0x2;
	s22 =	smov.u32 s24;
	[sflag:s17] =	ssyncset.done $0x0  }
0x33: {  	s24 =	sadd.s32 $0x2780, s25;
	[sflag:s17] =	ssyncadd.s32 $0xFFFFD800  }
0x34: {  	[spmem:s3] =	stream.indirect.scatter.add.f32 [tilespmem:s15], [sflag:$0x3], $0x80, s24, s14, $0xb8;
	[tilespmem:$0x1F780] =	vst v63  }
0x35: {  	_ =	swait.ge [sflag:s12], $0x2800  }
0x36: {  	[sflag:s12] =	ssyncset.done $0x0  }
0x37: {  	[sflag:s12] =	ssyncadd.s32 $0xFFFFD800  }
0x38: {  	[tilespmem:s15], [sflag:$0x1] =	stream.indirect.gather [hbm4b:s1+s14], $0x80, s21, s14, $0xb8;
	[tilespmem:$0x1F780] =	vst v63  }
0x39: {  	_ =	swait.ge [sflag:s18], $0x2800  }
.Ltmp0:
0x3a: {  	[sflag:s18] =	ssyncset.done $0x0;
	(pc) =	sbr.rel @p0 .LBB2_2-.Ltmp0, $4  }
0x3b: {  	s24 =	sadd.s32 $0x2800, s25;
	[sflag:s18] =	ssyncadd.s32 $0xFFFFD800  }
0x3c: {  	[spmem:s3] =	stream.indirect.scatter.add.f32 [tilespmem:s16], [sflag:$0x3], $0x80, s24, s14, $0xb8;
	[tilespmem:$0x1F780] =	vst v63  }
0x3d: {  	_ =	swait.ge [sflag:s12], $0x2800  }
0x3e: {  	s21 =	sadd.s32 $0xA0, s21;
	[sflag:s12] =	ssyncset.done $0x0  }
0x3f: {  	s23 =	sadd.s32 $0xFFFFFFB0, s21;
	[sflag:s12] =	ssyncadd.s32 $0xFFFFD800  }
0x40: {  	[tilespmem:s16], [sflag:$0x2] =	stream.indirect.gather [hbm4b:s1+s14], $0x80, s23, s14, $0xb8;
	[tilespmem:$0x1F780] =	vst v63  }
0x41: {  	_ =	swait.ge [sflag:s17], $0x2800  }
0x42: {  	s22 =	sshra.s32 s22, $0x2;
	[sflag:s17] =	ssyncset.done $0x0  }
0x43: {  	s30 =	sadd.s32 $0x2780, s22;
	[sflag:s17] =	ssyncadd.s32 $0xFFFFD800  }
0x44: {  	[spmem:s3] =	stream.indirect.scatter.add.f32 [tilespmem:s15], [sflag:$0x3], $0x80, s30, s14, $0xb8;
	[tilespmem:$0x1F780] =	vst v63  }
0x45: {  	_ =	swait.ge [sflag:s12], $0x2800  }
0x46: {  	[sflag:s12] =	ssyncset.done $0x0  }
0x47: {  	[sflag:s12] =	ssyncadd.s32 $0xFFFFD800  }
0x48: {  	[tilespmem:s15], [sflag:$0x1] =	stream.indirect.gather [hbm4b:s1+s14], $0x80, s21, s14, $0xb8;
	[tilespmem:$0x1F780] =	vst v63  }
0x49: {  	_ =	swait.ge [sflag:s18], $0x2800  }
0x4a: {  	[sflag:s18] =	ssyncset.done $0x0  }
0x4b: {  	s31 =	sadd.s32 $0x2800, s22;
	[sflag:s18] =	ssyncadd.s32 $0xFFFFD800  }
0x4c: {  	[spmem:s3] =	stream.indirect.scatter.add.f32 [tilespmem:s16], [sflag:$0x3], $0x80, s31, s14, $0xb8;
	[tilespmem:$0x1F780] =	vst v63  }
0x4d: {  	_ =	swait.ge [sflag:s12], $0x2800  }
0x4e: {  	[sflag:s12] =	ssyncset.done $0x0  }
0x4f: {  	[sflag:s12] =	ssyncadd.s32 $0xFFFFD800  }
0x50: {  	_ =	swait.ge [sflag:s17], $0x2800  }
0x51: {  	[sflag:s17] =	ssyncset.done $0x0  }
0x52: {  	[sflag:s17] =	ssyncadd.s32 $0xFFFFD800  }
0x53: {  	[spmem:s3] =	stream.indirect.scatter.add.f32 [tilespmem:s15], [sflag:$0x3], $0x80, s19, s14, $0xb8;
	[tilespmem:$0x1F780] =	vst v63  }
0x54: {  	_ =	swait.ge [sflag:s12], $0x2800  }
0x55: {  	s20 =	sadd.s32 $0x1, s20;
	[sflag:s12] =	ssyncset.done $0x0  }
0x56: {  	p0 =	sne.s32 s20, s10;
	[sflag:s12] =	ssyncadd.s32 $0xFFFFD800  }
.Ltmp1:
0x57: {  	[bflag:$0x0] =	sbarrier.arrive $0xFFFF;
	(pc) =	sbr.rel @p0 .LBB2_1-.Ltmp1, $4  }
0x58: {  	[hbm:s9], [sflag:s6] =	dma.local [spmem:s11], $0x2800  }
0x59: {  	_ =	swait.ge [sflag:s12], $0x2800  }
0x5a: {  	[sflag:s12] =	ssyncset.done $0x0  }
0x5b: {  	[sflag:s12] =	ssyncadd.s32 $0xFFFFD800  }
0x5c: {  	_ =	sfence.sel $0x180000  }
0x5d: {  	[bflag:$0x0] =	sbarrier.arrive $0xFFFF  }
0x5e: {  	p0 =	sne.s32 s0, $0x0;
	_ =	strace $0x90000050  }
0x5f: {  	s0 =	sadd.s32 @!p0 $0x100000, s2;
	[bflag:$0x2] =	sbarrier.arrive $0xFFFF  }
0x60: {  	[sflag:s0] =	ssyncadd.tile.s32 @!p0 $0x1;
	_ =	shalt  }
.Lfunc_end2:
_tile_overlayer_lowered:
.L_overlay_start_2:
0x61: {  	(tag) =	ssettag $0x2  }
0x62: {  	s0 =	rddreg [dreg:$0x0];
	s2 =	stileid.u32  }
0x63: {  	s1 =	rddreg [dreg:$0x1];
	p0 =	sne.s32 s2, $0x0  }
0x64: {  	s3 =	rddreg [dreg:$0x2];
	[bflag:$0x3] =	sbarrier.arrive $0xFFFF;
	s2 =	simm.s32 @!p0 $0x1C03  }
0x65: {  	[timem:s3], [sflag:s2] =	dma.local @!p0 [hbm:s0], s1  }
0x66: {  	s0 =	simm.s32 @!p0 $0x3  }
0x67: {  	_ =	swait.ge @!p0 [sflag:s0], s1  }
0x68: {  	s1 =	ssub.s32 @!p0 $0x0, s1;
	[sflag:s0] =	ssyncset.done @!p0 $0x0  }
0x69: {  	[sflag:s0] =	ssyncadd.s32 @!p0 s1  }
0x6a: {  	[bflag:$0x3] =	sbarrier.arrive $0xFFFF  }
0x6b: {  	_ =	shalt  }

</sc_bundles>
